<compile_context>
chip_gen: v7x
topology: tpu7x:2x2x1
jax: 0.10.2.dev20260603
libtpu: 0.0.44.dev20260713+nightly
codegen_flags: <defaults>
</compile_context>

<pallas_src>
import functools

import jax
import jax.numpy as jnp
from jax import lax
from jax.experimental import pallas as pl
from jax.experimental.pallas import tpu as pltpu
from jax.experimental.pallas import tpu_sc as plsc

S, D, H, E = 2048, 768, 8, 64
DH = D // H
QB = 512
NQB = S // QB
TB = 128
NBLK = S // TB + E
SP = NBLK * TB
NW = 32
CHUNK = S // NW


def _attn_kernel(x_ref, wq_ref, wk_ref, wv_ref, bq_ref, bk_ref, bv_ref,
                 wo_ref, bo_ref, ln1g_ref, ln1b_ref, gw_ref, gb_ref,
                 x1_ref, topv_ref, dest_ref, be_ref, acc_ref):
    h = pl.program_id(0)

    @pl.when(h == 0)
    def _init():
        acc_ref[...] = jnp.zeros_like(acc_ref)

    x = x_ref[...]
    wk = wk_ref[0]
    wv = wv_ref[0]
    k = jax.lax.dot_general(x, wk, (((1,), (1,)), ((), ()))) + bk_ref[0]
    v = jax.lax.dot_general(x, wv, (((1,), (1,)), ((), ()))) + bv_ref[0]
    wq = wq_ref[0]
    wo = wo_ref[0]

    def qblock(i):
        xq = x_ref[pl.ds(i * QB, QB), :]
        q = jax.lax.dot_general(xq, wq, (((1,), (1,)), ((), ()))) + bq_ref[0]
        s = jax.lax.dot_general(q, k, (((1,), (1,)), ((), ()))) \
            / jnp.sqrt(jnp.float32(DH))
        C = S // 2
        m = jnp.full((QB, 1), -jnp.inf, jnp.float32)
        l = jnp.zeros((QB, 1), jnp.float32)
        acc = jnp.zeros((QB, DH), jnp.float32)
        for c in range(2):
            sc = s[:, c * C:(c + 1) * C]
            mc = jnp.max(sc, axis=1, keepdims=True)
            mn = jnp.maximum(m, mc)
            corr = jnp.exp(m - mn)
            u = jnp.exp(sc - mn)
            l = l * corr + jnp.sum(u, axis=1, keepdims=True)
            pv = jax.lax.dot_general(u, v[c * C:(c + 1) * C, :],
                                     (((1,), (0,)), ((), ())))
            acc = corr * acc + pv
            m = mn
        o = acc / l
        contrib = jax.lax.dot_general(o, wo, (((1,), (1,)), ((), ())))
        acc_ref[pl.ds(i * QB, QB), :] += contrib

    for i in range(NQB):
        qblock(i)

    @pl.when(h == H - 1)
    def _tail():
        y = x_ref[...] + (acc_ref[...] + bo_ref[...])
        inv_d = jnp.float32(1.0 / D)
        mu = jnp.sum(y, axis=1, keepdims=True) * inv_d
        var = jnp.sum((y - mu) ** 2, axis=1, keepdims=True) * inv_d
        x1 = (y - mu) / jnp.sqrt(var + 1e-5) * ln1g_ref[...] + ln1b_ref[...]
        x1_ref[...] = x1
        g = jax.lax.dot_general(x1, gw_ref[...], (((1,), (1,)), ((), ()))) \
            + gb_ref[...]
        topv = jnp.max(g, axis=1, keepdims=True)
        ei = jax.lax.broadcasted_iota(jnp.int32, (S, E), 1).astype(jnp.float32)
        topif = jnp.min(jnp.where(g >= topv, ei, jnp.float32(E)),
                        axis=1, keepdims=True)
        topv_ref[...] = topv

        onehot = (topif == ei).astype(jnp.float32)
        ltri = (jax.lax.broadcasted_iota(jnp.int32, (S, S), 0) >=
                jax.lax.broadcasted_iota(jnp.int32, (S, S), 1)
                ).astype(jnp.float32)
        incl = jax.lax.dot_general(
            ltri, onehot, (((1,), (0,)), ((), ())))
        counts = incl[S - 1:S, :]
        ee_r = jax.lax.broadcasted_iota(jnp.int32, (E, E), 0)
        ee_c = jax.lax.broadcasted_iota(jnp.int32, (E, E), 1)
        u_strict = (ee_r < ee_c).astype(jnp.float32)
        u_incl = (ee_r <= ee_c).astype(jnp.float32)
        nb = jnp.floor((counts + jnp.float32(TB - 1))
                       * jnp.float32(1.0 / TB))
        cnb_incl = jax.lax.dot_general(
            nb, u_incl, (((1,), (0,)), ((), ())))
        cnb_excl = cnb_incl - nb
        offs_pad = cnb_excl * jnp.float32(TB)
        dest = jnp.sum(onehot * (offs_pad + incl - 1.0), axis=1,
                       keepdims=True)
        dest_ref[...] = dest.astype(jnp.int32)
        bi = jax.lax.broadcasted_iota(jnp.int32, (NBLK, 1), 0) \
            .astype(jnp.float32)
        be = jnp.sum((bi >= cnb_incl).astype(jnp.float32), axis=1,
                     keepdims=True)
        be_ref[...] = be.astype(jnp.int32)


def _group_kernel(be_ref, xs_ref, w_ref, b_ref, ys_ref):
    i = pl.program_id(0)

    @pl.when(be_ref[i] < E)
    def _():
        y = jax.lax.dot_general(xs_ref[...], w_ref[0],
                                (((1,), (1,)), ((), ()))) + b_ref[0]
        ys_ref[...] = y


def _ln2_kernel(x1_ref, topv_ref, moe_ref, ln2g_ref, ln2b_ref, x2_ref):
    z = x1_ref[...] + topv_ref[...] * moe_ref[...]
    inv_d = jnp.float32(1.0 / D)
    mu = jnp.sum(z, axis=1, keepdims=True) * inv_d
    var = jnp.sum((z - mu) ** 2, axis=1, keepdims=True) * inv_d
    x2_ref[...] = (z - mu) / jnp.sqrt(var + 1e-5) \
        * ln2g_ref[...] + ln2b_ref[...]


def _sc_scatter(x1, dest):
    mesh = plsc.VectorSubcoreMesh(core_axis_name="c", subcore_axis_name="s")

    @functools.partial(
        pl.kernel, mesh=mesh,
        out_type=jax.ShapeDtypeStruct((SP, D), jnp.float32),
        scratch_types=[
            pltpu.VMEM((CHUNK,), jnp.int32),
            pltpu.VMEM((CHUNK, D), jnp.float32),
            pltpu.SemaphoreType.DMA,
        ],
    )
    def k(x1_hbm, dest_hbm, out_hbm, idx_v, rows_v, sem):
        wid = lax.axis_index("s") * 2 + lax.axis_index("c")
        base = wid * CHUNK
        pltpu.sync_copy(dest_hbm.at[pl.ds(base, CHUNK)], idx_v)
        pltpu.sync_copy(x1_hbm.at[pl.ds(base, CHUNK)], rows_v)
        pltpu.async_copy(rows_v, out_hbm.at[idx_v], sem).wait()

    return k(x1, dest)


def _sc_gather(ys, dest):
    mesh = plsc.VectorSubcoreMesh(core_axis_name="c", subcore_axis_name="s")

    @functools.partial(
        pl.kernel, mesh=mesh,
        out_type=jax.ShapeDtypeStruct((S, D), jnp.float32),
        scratch_types=[
            pltpu.VMEM((CHUNK,), jnp.int32),
            pltpu.VMEM((CHUNK, D), jnp.float32),
            pltpu.SemaphoreType.DMA,
        ],
    )
    def k(ys_hbm, dest_hbm, out_hbm, idx_v, rows_v, sem):
        wid = lax.axis_index("s") * 2 + lax.axis_index("c")
        base = wid * CHUNK
        pltpu.sync_copy(dest_hbm.at[pl.ds(base, CHUNK)], idx_v)
        pltpu.async_copy(ys_hbm.at[idx_v], rows_v, sem).wait()
        pltpu.sync_copy(rows_v, out_hbm.at[pl.ds(base, CHUNK)])

    return k(ys, dest)


def _const2(shape):
    return pl.BlockSpec(shape, lambda *_: tuple(0 for _ in shape))


def kernel(x, router_mask, in_proj_w, in_proj_b, out_proj_w, out_proj_b,
           ln1_g, ln1_b, ln2_g, ln2_b, gate_w, gate_b, expert_w, expert_b):
    del router_mask
    x2d = x.reshape(S, D)
    wq = in_proj_w[0 * D:1 * D].reshape(H, DH, D)
    wk = in_proj_w[1 * D:2 * D].reshape(H, DH, D)
    wv = in_proj_w[2 * D:3 * D].reshape(H, DH, D)
    bq = in_proj_b[0 * D:1 * D].reshape(H, 1, DH)
    bk = in_proj_b[1 * D:2 * D].reshape(H, 1, DH)
    bv = in_proj_b[2 * D:3 * D].reshape(H, 1, DH)
    wo = out_proj_w.reshape(D, H, DH).transpose(1, 0, 2)

    head_spec_w = pl.BlockSpec((1, DH, D), lambda h: (h, 0, 0))
    head_spec_b = pl.BlockSpec((1, 1, DH), lambda h: (h, 0, 0))
    x1, topv, dest, be = pl.pallas_call(
        _attn_kernel,
        grid=(H,),
        in_specs=[
            _const2((S, D)),
            head_spec_w, head_spec_w, head_spec_w,
            head_spec_b, head_spec_b, head_spec_b,
            pl.BlockSpec((1, D, DH), lambda h: (h, 0, 0)),
            _const2((1, D)), _const2((1, D)), _const2((1, D)),
            _const2((E, D)), _const2((1, E)),
        ],
        out_specs=[_const2((S, D)), _const2((S, 1)), _const2((S, 1)),
                   _const2((NBLK, 1))],
        out_shape=[
            jax.ShapeDtypeStruct((S, D), jnp.float32),
            jax.ShapeDtypeStruct((S, 1), jnp.float32),
            jax.ShapeDtypeStruct((S, 1), jnp.int32),
            jax.ShapeDtypeStruct((NBLK, 1), jnp.int32),
        ],
        scratch_shapes=[pltpu.VMEM((S, D), jnp.float32)],
    )(x2d, wq, wk, wv, bq, bk, bv, wo,
      out_proj_b.reshape(1, D), ln1_g.reshape(1, D), ln1_b.reshape(1, D),
      gate_w, gate_b.reshape(1, E))

    dest1 = dest.reshape(S)
    xs = _sc_scatter(x1, dest1)

    grid_spec = pltpu.PrefetchScalarGridSpec(
        num_scalar_prefetch=1,
        grid=(NBLK,),
        in_specs=[
            pl.BlockSpec((TB, D), lambda i, be_: (i, 0)),
            pl.BlockSpec((1, D, D),
                         lambda i, be_: (jnp.minimum(be_[i], E - 1), 0, 0)),
            pl.BlockSpec((1, 1, D),
                         lambda i, be_: (jnp.minimum(be_[i], E - 1), 0, 0)),
        ],
        out_specs=pl.BlockSpec((TB, D), lambda i, be_: (i, 0)),
    )
    ys = pl.pallas_call(
        _group_kernel,
        grid_spec=grid_spec,
        out_shape=jax.ShapeDtypeStruct((SP, D), jnp.float32),
    )(be.reshape(NBLK), xs, expert_w, expert_b.reshape(E, 1, D))

    moe = _sc_gather(ys, dest1)

    x2 = pl.pallas_call(
        _ln2_kernel,
        in_specs=[_const2((S, D)), _const2((S, 1)), _const2((S, D)),
                  _const2((1, D)), _const2((1, D))],
        out_specs=_const2((S, D)),
        out_shape=jax.ShapeDtypeStruct((S, D), jnp.float32),
    )(x1, topv, moe, ln2_g.reshape(1, D), ln2_b.reshape(1, D))

    return x2.reshape(S, 1, D)

# --- scband reference (transcript-rebuilt; emitter-appended) ---
"""Pipeline reference for scband-transformer-layer-27693949124970 (READ-ONLY COPY).

The authoritative reference and input builder live on the scoring server;
editing this copy changes nothing except your own understanding.
"""

import jax, jax.numpy as jnp
import numpy as np

S, B, D, H, E, K = 2048, 1, 768, 8, 64, 1


def setup_inputs(seed: int = 0) -> dict:
    key = jax.random.key(seed)
    ks = jax.random.split(key, 8)
    def n(k, shape, scale=0.02):
        return jax.random.normal(k, shape, dtype=jnp.float32) * scale
    return {
        "x": jax.random.normal(ks[0], (S, B, D), dtype=jnp.float32),
        "router_mask": jnp.zeros((S, B, E), dtype=jnp.float32),
        "in_proj_w": n(ks[1], (3 * D, D)),
        "in_proj_b": jnp.zeros((3 * D,), dtype=jnp.float32),
        "out_proj_w": n(ks[2], (D, D)),
        "out_proj_b": jnp.zeros((D,), dtype=jnp.float32),
        "ln1_g": jnp.ones((D,), dtype=jnp.float32),
        "ln1_b": jnp.zeros((D,), dtype=jnp.float32),
        "ln2_g": jnp.ones((D,), dtype=jnp.float32),
        "ln2_b": jnp.zeros((D,), dtype=jnp.float32),
        "gate_w": n(ks[3], (E, D)),
        "gate_b": jnp.zeros((E,), dtype=jnp.float32),
        "expert_w": n(ks[4], (E, D, D)),
        "expert_b": jnp.zeros((E, D), dtype=jnp.float32),
    }


def _layer_norm(x, g, b, eps=1e-5):
    mu = jnp.mean(x, axis=-1, keepdims=True)
    var = jnp.mean((x - mu) ** 2, axis=-1, keepdims=True)
    return (x - mu) / jnp.sqrt(var + eps) * g + b


def _mha(x, Wqkv, bqkv, Wo, bo):
    S_, B_, D_ = x.shape
    dh = D_ // H
    proj = x @ Wqkv.T + bqkv  # [S,B,3D]
    q, k, v = jnp.split(proj, 3, axis=-1)
    def heads(t):
        return t.reshape(S_, B_, H, dh).transpose(1, 2, 0, 3)  # [B,H,S,dh]
    q, k, v = heads(q), heads(k), heads(v)
    scores = jnp.einsum('bhsd,bhtd->bhst', q, k) / jnp.sqrt(jnp.float32(dh))
    a = jax.nn.softmax(scores, axis=-1)
    o = jnp.einsum('bhst,bhtd->bhsd', a, v)
    o = o.transpose(2, 0, 1, 3).reshape(S_, B_, D_)
    return o @ Wo.T + bo


def reference(x, router_mask, in_proj_w, in_proj_b, out_proj_w, out_proj_b,
              ln1_g, ln1_b, ln2_g, ln2_b, gate_w, gate_b, expert_w, expert_b):
    attn = _mha(x, in_proj_w, in_proj_b, out_proj_w, out_proj_b)
    x1 = _layer_norm(x + attn, ln1_g, ln1_b)
    # MoE: gate -> top_k (raw logits as combine weights, matching torch ref)
    gate_logits = x1 @ gate_w.T + gate_b  # [S,B,E]
    topv, topi = jax.lax.top_k(gate_logits, K)  # [S,B,K]
    comb = jnp.sum(jax.nn.one_hot(topi, E, dtype=x1.dtype) * topv[..., None], axis=2)  # [S,B,E]
    eo = jnp.einsum('sbd,efd->sbef', x1, expert_w) + expert_b  # [S,B,E,D]
    moe = jnp.einsum('sbef,sbe->sbf', eo, comb)  # [S,B,D]
    x2 = _layer_norm(x1 + moe, ln2_g, ln2_b)
    return x2

if __name__ == "__main__":
    import jax
    _d = setup_inputs()
    print(jax.jit(kernel)(*tuple(_d.values())))

</pallas_src>

<mosaic_0001>
#map = affine_map<(d0, d1) -> (0, 0)>
#map1 = affine_map<(d0, d1) -> (0)>
module attributes {stable_mosaic.version = 14 : i64} {
  func.func @k(%arg0: i32, %arg1: i32, %arg2: memref<2048x768xf32, #tpu.memory_space<hbm>>, %arg3: memref<2048xi32, #tpu.memory_space<hbm>>, %arg4: memref<10240x768xf32, #tpu.memory_space<hbm>>, %arg5: memref<64xi32, #tpu.memory_space<vmem>>, %arg6: memref<64x768xf32, #tpu.memory_space<vmem>>, %arg7: memref<!tpu.dma_semaphore, #tpu.memory_space<semaphore_mem>>) attributes {dimension_semantics = [#tpu.dimension_semantics<core_parallel>, #tpu.dimension_semantics<subcore_parallel>], iteration_bounds = array<i64: 2, 16>, scalar_prefetch = 0 : i64, scratch_operands = 3 : i64, tpu.core_type = #tpu.core_type<sc_vector_subcore>, window_params = [{transform_indices = #map}, {transform_indices = #map1}, {transform_indices = #map}]} {
    %mul3A = arith.constant 2 : i32
    %mul3A_0 = arith.muli %arg1, %mul3A : i32
    %add3A = arith.addi %mul3A_0, %arg0 : i32
    %mul3A_1 = arith.constant 64 : i32
    %mul3A_2 = arith.muli %add3A, %mul3A_1 : i32
    "tpu.region"() ({
      %run_scoped3A = tpu.sem_alloc : memref<!tpu.dma_semaphore, #tpu.memory_space<semaphore_mem>>
      %dma_start3A_7 = tpu.memref_slice %arg3[%mul3A_2] : memref<2048xi32, #tpu.memory_space<hbm>> -> memref<64xi32, #tpu.memory_space<hbm>>
      %dma_start3A_8 = tpu.memref_slice %arg3[%mul3A_2] : memref<2048xi32, #tpu.memory_space<hbm>> -> memref<64xi32, #tpu.memory_space<hbm>>
      tpu.enqueue_dma source(%dma_start3A_8 : memref<64xi32, #tpu.memory_space<hbm>>) target(%arg5 : memref<64xi32, #tpu.memory_space<vmem>>) target_semaphore(%run_scoped3A : memref<!tpu.dma_semaphore, #tpu.memory_space<semaphore_mem>>)
      %dma_wait3A_9 = tpu.memref_slice %arg3[%mul3A_2] : memref<2048xi32, #tpu.memory_space<hbm>> -> memref<64xi32, #tpu.memory_space<hbm>>
      %dma_wait3A_10 = tpu.memref_slice %arg3[%mul3A_2] : memref<2048xi32, #tpu.memory_space<hbm>> -> memref<64xi32, #tpu.memory_space<hbm>>
      tpu.wait_dma2 semaphore(%run_scoped3A : memref<!tpu.dma_semaphore, #tpu.memory_space<semaphore_mem>>) src(%dma_wait3A_10 : memref<64xi32, #tpu.memory_space<hbm>>) dst(%arg5 : memref<64xi32, #tpu.memory_space<vmem>>)
      tpu.yield
    }) : () -> ()
    "tpu.region"() ({
      %run_scoped3A = tpu.sem_alloc : memref<!tpu.dma_semaphore, #tpu.memory_space<semaphore_mem>>
      %dma_start3A_7 = arith.constant 0 : i32
      %dma_start3A_8 = tpu.memref_slice %arg2[%mul3A_2, %dma_start3A_7] : memref<2048x768xf32, #tpu.memory_space<hbm>> -> memref<64x768xf32, #tpu.memory_space<hbm>>
      %dma_start3A_9 = arith.constant 0 : i32
      %dma_start3A_10 = tpu.memref_slice %arg2[%mul3A_2, %dma_start3A_9] : memref<2048x768xf32, #tpu.memory_space<hbm>> -> memref<64x768xf32, #tpu.memory_space<hbm>>
      tpu.enqueue_dma source(%dma_start3A_10 : memref<64x768xf32, #tpu.memory_space<hbm>>) target(%arg6 : memref<64x768xf32, #tpu.memory_space<vmem>>) target_semaphore(%run_scoped3A : memref<!tpu.dma_semaphore, #tpu.memory_space<semaphore_mem>>)
      %dma_wait3A_11 = arith.constant 0 : i32
      %dma_wait3A_12 = tpu.memref_slice %arg2[%mul3A_2, %dma_wait3A_11] : memref<2048x768xf32, #tpu.memory_space<hbm>> -> memref<64x768xf32, #tpu.memory_space<hbm>>
      %dma_wait3A_13 = arith.constant 0 : i32
      %dma_wait3A_14 = tpu.memref_slice %arg2[%mul3A_2, %dma_wait3A_13] : memref<2048x768xf32, #tpu.memory_space<hbm>> -> memref<64x768xf32, #tpu.memory_space<hbm>>
      tpu.wait_dma2 semaphore(%run_scoped3A : memref<!tpu.dma_semaphore, #tpu.memory_space<semaphore_mem>>) src(%dma_wait3A_14 : memref<64x768xf32, #tpu.memory_space<hbm>>) dst(%arg6 : memref<64x768xf32, #tpu.memory_space<vmem>>)
      tpu.yield
    }) : () -> ()
    %dma_start3A = arith.constant 0 : i32
    %dma_start3A_3 = arith.constant 0 : i32
    %dma_start3A_4 = tpu.memref_slice %arg4[%dma_start3A, %dma_start3A_3] : memref<10240x768xf32, #tpu.memory_space<hbm>> -> memref<10240x768xf32, #tpu.memory_space<hbm>>
    tpu.enqueue_indirect_dma source(%arg6 : memref<64x768xf32, #tpu.memory_space<vmem>>) target(%dma_start3A_4 : memref<10240x768xf32, #tpu.memory_space<hbm>>) offsets(%arg5 : memref<64xi32, #tpu.memory_space<vmem>>) semaphore(%arg7 : memref<!tpu.dma_semaphore, #tpu.memory_space<semaphore_mem>>)
    %dma_wait3A = arith.constant 0 : i32
    %dma_wait3A_5 = arith.constant 0 : i32
    %dma_wait3A_6 = tpu.memref_slice %arg4[%dma_wait3A, %dma_wait3A_5] : memref<10240x768xf32, #tpu.memory_space<hbm>> -> memref<10240x768xf32, #tpu.memory_space<hbm>>
    tpu.wait_indirect_dma semaphore(%arg7 : memref<!tpu.dma_semaphore, #tpu.memory_space<semaphore_mem>>) src(%arg6 : memref<64x768xf32, #tpu.memory_space<vmem>>) dst(%dma_wait3A_6 : memref<10240x768xf32, #tpu.memory_space<hbm>>)
    return
  }
}

#map = affine_map<(d0, d1) -> (0, 0)>
#map1 = affine_map<(d0, d1) -> (0)>
module attributes {stable_mosaic.version = 14 : i64} {
  func.func @k(%arg0: i32, %arg1: i32, %arg2: memref<10240x768xf32, #tpu.memory_space<hbm>>, %arg3: memref<2048xi32, #tpu.memory_space<hbm>>, %arg4: memref<2048x768xf32, #tpu.memory_space<hbm>>, %arg5: memref<64xi32, #tpu.memory_space<vmem>>, %arg6: memref<64x768xf32, #tpu.memory_space<vmem>>, %arg7: memref<!tpu.dma_semaphore, #tpu.memory_space<semaphore_mem>>) attributes {dimension_semantics = [#tpu.dimension_semantics<core_parallel>, #tpu.dimension_semantics<subcore_parallel>], iteration_bounds = array<i64: 2, 16>, scalar_prefetch = 0 : i64, scratch_operands = 3 : i64, tpu.core_type = #tpu.core_type<sc_vector_subcore>, window_params = [{transform_indices = #map}, {transform_indices = #map1}, {transform_indices = #map}]} {
    %mul3A = arith.constant 2 : i32
    %mul3A_0 = arith.muli %arg1, %mul3A : i32
    %add3A = arith.addi %mul3A_0, %arg0 : i32
    %mul3A_1 = arith.constant 64 : i32
    %mul3A_2 = arith.muli %add3A, %mul3A_1 : i32
    "tpu.region"() ({
      %run_scoped3A = tpu.sem_alloc : memref<!tpu.dma_semaphore, #tpu.memory_space<semaphore_mem>>
      %dma_start3A_7 = tpu.memref_slice %arg3[%mul3A_2] : memref<2048xi32, #tpu.memory_space<hbm>> -> memref<64xi32, #tpu.memory_space<hbm>>
      %dma_start3A_8 = tpu.memref_slice %arg3[%mul3A_2] : memref<2048xi32, #tpu.memory_space<hbm>> -> memref<64xi32, #tpu.memory_space<hbm>>
      tpu.enqueue_dma source(%dma_start3A_8 : memref<64xi32, #tpu.memory_space<hbm>>) target(%arg5 : memref<64xi32, #tpu.memory_space<vmem>>) target_semaphore(%run_scoped3A : memref<!tpu.dma_semaphore, #tpu.memory_space<semaphore_mem>>)
      %dma_wait3A_9 = tpu.memref_slice %arg3[%mul3A_2] : memref<2048xi32, #tpu.memory_space<hbm>> -> memref<64xi32, #tpu.memory_space<hbm>>
      %dma_wait3A_10 = tpu.memref_slice %arg3[%mul3A_2] : memref<2048xi32, #tpu.memory_space<hbm>> -> memref<64xi32, #tpu.memory_space<hbm>>
      tpu.wait_dma2 semaphore(%run_scoped3A : memref<!tpu.dma_semaphore, #tpu.memory_space<semaphore_mem>>) src(%dma_wait3A_10 : memref<64xi32, #tpu.memory_space<hbm>>) dst(%arg5 : memref<64xi32, #tpu.memory_space<vmem>>)
      tpu.yield
    }) : () -> ()
    %dma_start3A = arith.constant 0 : i32
    %dma_start3A_3 = arith.constant 0 : i32
    %dma_start3A_4 = tpu.memref_slice %arg2[%dma_start3A, %dma_start3A_3] : memref<10240x768xf32, #tpu.memory_space<hbm>> -> memref<10240x768xf32, #tpu.memory_space<hbm>>
    tpu.enqueue_indirect_dma source(%dma_start3A_4 : memref<10240x768xf32, #tpu.memory_space<hbm>>) target(%arg6 : memref<64x768xf32, #tpu.memory_space<vmem>>) offsets(%arg5 : memref<64xi32, #tpu.memory_space<vmem>>) semaphore(%arg7 : memref<!tpu.dma_semaphore, #tpu.memory_space<semaphore_mem>>)
    %dma_wait3A = arith.constant 0 : i32
    %dma_wait3A_5 = arith.constant 0 : i32
    %dma_wait3A_6 = tpu.memref_slice %arg2[%dma_wait3A, %dma_wait3A_5] : memref<10240x768xf32, #tpu.memory_space<hbm>> -> memref<10240x768xf32, #tpu.memory_space<hbm>>
    tpu.wait_indirect_dma semaphore(%arg7 : memref<!tpu.dma_semaphore, #tpu.memory_space<semaphore_mem>>) src(%dma_wait3A_6 : memref<10240x768xf32, #tpu.memory_space<hbm>>) dst(%arg6 : memref<64x768xf32, #tpu.memory_space<vmem>>)
    "tpu.region"() ({
      %run_scoped3A = tpu.sem_alloc : memref<!tpu.dma_semaphore, #tpu.memory_space<semaphore_mem>>
      %dma_start3A_7 = arith.constant 0 : i32
      %dma_start3A_8 = tpu.memref_slice %arg4[%mul3A_2, %dma_start3A_7] : memref<2048x768xf32, #tpu.memory_space<hbm>> -> memref<64x768xf32, #tpu.memory_space<hbm>>
      %dma_start3A_9 = arith.constant 0 : i32
      %dma_start3A_10 = tpu.memref_slice %arg4[%mul3A_2, %dma_start3A_9] : memref<2048x768xf32, #tpu.memory_space<hbm>> -> memref<64x768xf32, #tpu.memory_space<hbm>>
      tpu.enqueue_dma source(%arg6 : memref<64x768xf32, #tpu.memory_space<vmem>>) target(%dma_start3A_10 : memref<64x768xf32, #tpu.memory_space<hbm>>) target_semaphore(%run_scoped3A : memref<!tpu.dma_semaphore, #tpu.memory_space<semaphore_mem>>)
      %dma_wait3A_11 = arith.constant 0 : i32
      %dma_wait3A_12 = tpu.memref_slice %arg4[%mul3A_2, %dma_wait3A_11] : memref<2048x768xf32, #tpu.memory_space<hbm>> -> memref<64x768xf32, #tpu.memory_space<hbm>>
      %dma_wait3A_13 = arith.constant 0 : i32
      %dma_wait3A_14 = tpu.memref_slice %arg4[%mul3A_2, %dma_wait3A_13] : memref<2048x768xf32, #tpu.memory_space<hbm>> -> memref<64x768xf32, #tpu.memory_space<hbm>>
      tpu.wait_dma2 semaphore(%run_scoped3A : memref<!tpu.dma_semaphore, #tpu.memory_space<semaphore_mem>>) src(%arg6 : memref<64x768xf32, #tpu.memory_space<vmem>>) dst(%dma_wait3A_14 : memref<64x768xf32, #tpu.memory_space<hbm>>)
      tpu.yield
    }) : () -> ()
    return
  }
}

module attributes {stable_mosaic.version = 14 : i64} {
  func.func @_attn_kernel(%arg0: i32, %arg1: memref<2048x768xf32, #tpu.memory_space<vmem>>, %arg2: memref<1x96x768xf32, #tpu.memory_space<vmem>>, %arg3: memref<1x96x768xf32, #tpu.memory_space<vmem>>, %arg4: memref<1x96x768xf32, #tpu.memory_space<vmem>>, %arg5: memref<1x1x96xf32, #tpu.memory_space<vmem>>, %arg6: memref<1x1x96xf32, #tpu.memory_space<vmem>>, %arg7: memref<1x1x96xf32, #tpu.memory_space<vmem>>, %arg8: memref<1x768x96xf32, #tpu.memory_space<vmem>>, %arg9: memref<1x768xf32, #tpu.memory_space<vmem>>, %arg10: memref<1x768xf32, #tpu.memory_space<vmem>>, %arg11: memref<1x768xf32, #tpu.memory_space<vmem>>, %arg12: memref<64x768xf32, #tpu.memory_space<vmem>>, %arg13: memref<1x64xf32, #tpu.memory_space<vmem>>, %arg14: memref<2048x768xf32, #tpu.memory_space<vmem>>, %arg15: memref<2048x1xf32, #tpu.memory_space<vmem>>, %arg16: memref<2048x1xi32, #tpu.memory_space<vmem>>, %arg17: memref<80x1xi32, #tpu.memory_space<vmem>>, %arg18: memref<2048x768xf32, #tpu.memory_space<vmem>>) attributes {dimension_semantics = [#tpu.dimension_semantics<arbitrary>], iteration_bounds = array<i64: 8>, scalar_prefetch = 0 : i64, scratch_operands = 1 : i64, tpu.core_type = #tpu.core_type<tc>, window_params = [{pipeline_mode = #tpu.pipeline_mode<synchronous>, transform_indices = @transform_0, window_bounds = array<i64: 2048, 768>}, {transform_indices = @transform_1, window_bounds = array<i64: 1, 96, 768>}, {transform_indices = @transform_2, window_bounds = array<i64: 1, 96, 768>}, {transform_indices = @transform_3, window_bounds = array<i64: 1, 96, 768>}, {transform_indices = @transform_4, window_bounds = array<i64: 1, 1, 96>}, {transform_indices = @transform_5, window_bounds = array<i64: 1, 1, 96>}, {transform_indices = @transform_6, window_bounds = array<i64: 1, 1, 96>}, {transform_indices = @transform_7, window_bounds = array<i64: 1, 768, 96>}, {pipeline_mode = #tpu.pipeline_mode<synchronous>, transform_indices = @transform_8, window_bounds = array<i64: 1, 768>}, {pipeline_mode = #tpu.pipeline_mode<synchronous>, transform_indices = @transform_9, window_bounds = array<i64: 1, 768>}, {pipeline_mode = #tpu.pipeline_mode<synchronous>, transform_indices = @transform_10, window_bounds = array<i64: 1, 768>}, {pipeline_mode = #tpu.pipeline_mode<synchronous>, transform_indices = @transform_11, window_bounds = array<i64: 64, 768>}, {pipeline_mode = #tpu.pipeline_mode<synchronous>, transform_indices = @transform_12, window_bounds = array<i64: 1, 64>}, {pipeline_mode = #tpu.pipeline_mode<synchronous>, transform_indices = @transform_13, window_bounds = array<i64: 2048, 768>}, {pipeline_mode = #tpu.pipeline_mode<synchronous>, transform_indices = @transform_14, window_bounds = array<i64: 2048, 1>}, {pipeline_mode = #tpu.pipeline_mode<synchronous>, transform_indices = @transform_15, window_bounds = array<i64: 2048, 1>}, {pipeline_mode = #tpu.pipeline_mode<synchronous>, transform_indices = @transform_16, window_bounds = array<i64: 80, 1>}]} {
    %eq3A = arith.constant 0 : i32
    %eq3A_0 = arith.cmpi eq, %arg0, %eq3A : i32
    %convert_element_type3A = arith.extui %eq3A_0 : i1 to i32
    %cond3A = arith.constant 0 : i32
    %cond3A_1 = arith.cmpi ne, %convert_element_type3A, %cond3A : i32
    scf.if %cond3A_1 {
      %broadcast_in_dim3A_342 = arith.constant 0.000000e+00 : f32
      %broadcast_in_dim3A_343 = vector.broadcast %broadcast_in_dim3A_342 : f32 to vector<2048x768xf32>
      %swap3A_344 = arith.constant 0 : index
      %swap3A_345 = arith.constant 0 : index
      %swap3A_346 = vector.load %arg18[%swap3A_344, %swap3A_345] : memref<2048x768xf32, #tpu.memory_space<vmem>>, vector<2048x768xf32>
      tpu.vector_store %arg18[%swap3A_344, %swap3A_345], %broadcast_in_dim3A_343 {strides = array<i32>} : memref<2048x768xf32, #tpu.memory_space<vmem>>, vector<2048x768xf32>,
    } else {
    }
    %get3A = arith.constant 0 : index
    %get3A_2 = arith.constant 0 : index
    %get3A_3 = vector.load %arg1[%get3A, %get3A_2] : memref<2048x768xf32, #tpu.memory_space<vmem>>, vector<2048x768xf32>
    %get3A_4 = arith.constant 0 : index
    %get3A_5 = arith.constant 0 : index
    %get3A_6 = arith.constant 0 : index
    %get3A_7 = vector.load %arg3[%get3A_4, %get3A_5, %get3A_6] : memref<1x96x768xf32, #tpu.memory_space<vmem>>, vector<1x96x768xf32>
    %get3A_8 = vector.shape_cast %get3A_7 : vector<1x96x768xf32> to vector<96x768xf32>
    %get3A_9 = arith.constant 0 : index
    %get3A_10 = arith.constant 0 : index
    %get3A_11 = arith.constant 0 : index
    %get3A_12 = vector.load %arg4[%get3A_9, %get3A_10, %get3A_11] : memref<1x96x768xf32, #tpu.memory_space<vmem>>, vector<1x96x768xf32>
    %get3A_13 = vector.shape_cast %get3A_12 : vector<1x96x768xf32> to vector<96x768xf32>
    %dot_general3A = arith.constant dense<0.000000e+00> : vector<2048x96xf32>
    %dot_general3A_14 = tpu.matmul %get3A_3, %get3A_8, %dot_general3A {dimension_numbers = #tpu.dot_dimension_numbers<[1], [1], [0], [0], [0, 0, 1, 0], [], []>, transpose_lhs_hint = false} : vector<2048x768xf32>, vector<96x768xf32>, vector<2048x96xf32> -> vector<2048x96xf32>
    %get3A_15 = arith.constant 0 : index
    %get3A_16 = arith.constant 0 : index
    %get3A_17 = arith.constant 0 : index
    %get3A_18 = vector.load %arg6[%get3A_15, %get3A_16, %get3A_17] : memref<1x1x96xf32, #tpu.memory_space<vmem>>, vector<1x1x96xf32>
    %get3A_19 = vector.shape_cast %get3A_18 : vector<1x1x96xf32> to vector<1x96xf32>
    %add3A = vector.broadcast %get3A_19 : vector<1x96xf32> to vector<2048x96xf32>
    %add3A_20 = arith.addf %dot_general3A_14, %add3A : vector<2048x96xf32>
    %dot_general3A_21 = arith.constant dense<0.000000e+00> : vector<2048x96xf32>
    %dot_general3A_22 = tpu.matmul %get3A_3, %get3A_13, %dot_general3A_21 {dimension_numbers = #tpu.dot_dimension_numbers<[1], [1], [0], [0], [0, 0, 1, 0], [], []>, transpose_lhs_hint = false} : vector<2048x768xf32>, vector<96x768xf32>, vector<2048x96xf32> -> vector<2048x96xf32>
    %get3A_23 = arith.constant 0 : index
    %get3A_24 = arith.constant 0 : index
    %get3A_25 = arith.constant 0 : index
    %get3A_26 = vector.load %arg7[%get3A_23, %get3A_24, %get3A_25] : memref<1x1x96xf32, #tpu.memory_space<vmem>>, vector<1x1x96xf32>
    %get3A_27 = vector.shape_cast %get3A_26 : vector<1x1x96xf32> to vector<1x96xf32>
    %add3A_28 = vector.broadcast %get3A_27 : vector<1x96xf32> to vector<2048x96xf32>
    %add3A_29 = arith.addf %dot_general3A_22, %add3A_28 : vector<2048x96xf32>
    %get3A_30 = arith.constant 0 : index
    %get3A_31 = arith.constant 0 : index
    %get3A_32 = arith.constant 0 : index
    %get3A_33 = vector.load %arg2[%get3A_30, %get3A_31, %get3A_32] : memref<1x96x768xf32, #tpu.memory_space<vmem>>, vector<1x96x768xf32>
    %get3A_34 = vector.shape_cast %get3A_33 : vector<1x96x768xf32> to vector<96x768xf32>
    %get3A_35 = arith.constant 0 : index
    %get3A_36 = arith.constant 0 : index
    %get3A_37 = arith.constant 0 : index
    %get3A_38 = vector.load %arg8[%get3A_35, %get3A_36, %get3A_37] : memref<1x768x96xf32, #tpu.memory_space<vmem>>, vector<1x768x96xf32>
    %get3A_39 = vector.shape_cast %get3A_38 : vector<1x768x96xf32> to vector<768x96xf32>
    %get3A_40 = arith.constant 0 : index
    %get3A_41 = arith.constant 0 : index
    %get3A_42 = vector.load %arg1[%get3A_40, %get3A_41] : memref<2048x768xf32, #tpu.memory_space<vmem>>, vector<512x768xf32>
    %dot_general3A_43 = arith.constant dense<0.000000e+00> : vector<512x96xf32>
    %dot_general3A_44 = tpu.matmul %get3A_42, %get3A_34, %dot_general3A_43 {dimension_numbers = #tpu.dot_dimension_numbers<[1], [1], [0], [0], [0, 0, 1, 0], [], []>, transpose_lhs_hint = false} : vector<512x768xf32>, vector<96x768xf32>, vector<512x96xf32> -> vector<512x96xf32>
    %get3A_45 = arith.constant 0 : index
    %get3A_46 = arith.constant 0 : index
    %get3A_47 = arith.constant 0 : index
    %get3A_48 = vector.load %arg5[%get3A_45, %get3A_46, %get3A_47] : memref<1x1x96xf32, #tpu.memory_space<vmem>>, vector<1x1x96xf32>
    %get3A_49 = vector.shape_cast %get3A_48 : vector<1x1x96xf32> to vector<1x96xf32>
    %add3A_50 = vector.broadcast %get3A_49 : vector<1x96xf32> to vector<512x96xf32>
    %add3A_51 = arith.addf %dot_general3A_44, %add3A_50 : vector<512x96xf32>
    %dot_general3A_52 = arith.constant dense<0.000000e+00> : vector<512x2048xf32>
    %dot_general3A_53 = tpu.matmul %add3A_51, %add3A_20, %dot_general3A_52 {dimension_numbers = #tpu.dot_dimension_numbers<[1], [1], [0], [0], [0, 0, 1, 0], [], []>, transpose_lhs_hint = false} : vector<512x96xf32>, vector<2048x96xf32>, vector<512x2048xf32> -> vector<512x2048xf32>
    %sqrt3A = arith.constant 9.600000e+01 : f32
    %sqrt3A_54 = math.sqrt %sqrt3A : f32
    %div3A = vector.broadcast %sqrt3A_54 : f32 to vector<512x2048xf32>
    %div3A_55 = arith.divf %dot_general3A_53, %div3A : vector<512x2048xf32>
    %broadcast_in_dim3A = arith.constant 0xFF800000 : f32
    %broadcast_in_dim3A_56 = vector.broadcast %broadcast_in_dim3A : f32 to vector<512x1xf32>
    %broadcast_in_dim3A_57 = arith.constant 0.000000e+00 : f32
    %broadcast_in_dim3A_58 = vector.broadcast %broadcast_in_dim3A_57 : f32 to vector<512x1xf32>
    %broadcast_in_dim3A_59 = arith.constant 0.000000e+00 : f32
    %broadcast_in_dim3A_60 = vector.broadcast %broadcast_in_dim3A_59 : f32 to vector<512x96xf32>
    %slice3A = vector.extract_strided_slice %div3A_55 {offsets = [0, 0], sizes = [512, 1024], strides = [1, 1]} : vector<512x2048xf32> to vector<512x1024xf32>
    %reduce_max3A = arith.constant dense<0xFF800000> : vector<512xf32>
    %reduce_max3A_61 = vector.multi_reduction <maximumf>, %slice3A, %reduce_max3A [1] : vector<512x1024xf32> to vector<512xf32>
    %broadcast_in_dim3A_62 = vector.shape_cast %reduce_max3A_61 : vector<512xf32> to vector<512x1xf32>
    %max3A = arith.maximumf %broadcast_in_dim3A_56, %broadcast_in_dim3A_62 : vector<512x1xf32>
    %sub3A = arith.subf %broadcast_in_dim3A_56, %max3A : vector<512x1xf32>
    %exp3A = math.exp %sub3A : vector<512x1xf32>
    %sub3A_63 = vector.broadcast %max3A : vector<512x1xf32> to vector<512x1024xf32>
    %sub3A_64 = arith.subf %slice3A, %sub3A_63 : vector<512x1024xf32>
    %exp3A_65 = math.exp %sub3A_64 : vector<512x1024xf32>
    %mul3A = arith.mulf %broadcast_in_dim3A_58, %exp3A : vector<512x1xf32>
    %reduce_sum3A = arith.constant dense<0.000000e+00> : vector<512xf32>
    %reduce_sum3A_66 = vector.multi_reduction <add>, %exp3A_65, %reduce_sum3A [1] : vector<512x1024xf32> to vector<512xf32>
    %broadcast_in_dim3A_67 = vector.shape_cast %reduce_sum3A_66 : vector<512xf32> to vector<512x1xf32>
    %add3A_68 = arith.addf %mul3A, %broadcast_in_dim3A_67 : vector<512x1xf32>
    %slice3A_69 = vector.extract_strided_slice %add3A_29 {offsets = [0, 0], sizes = [1024, 96], strides = [1, 1]} : vector<2048x96xf32> to vector<1024x96xf32>
    %dot_general3A_70 = arith.constant dense<0.000000e+00> : vector<512x96xf32>
    %dot_general3A_71 = tpu.matmul %exp3A_65, %slice3A_69, %dot_general3A_70 {dimension_numbers = #tpu.dot_dimension_numbers<[1], [0], [0], [1], [0, 0, 1, 1], [], []>, transpose_lhs_hint = false} : vector<512x1024xf32>, vector<1024x96xf32>, vector<512x96xf32> -> vector<512x96xf32>
    %mul3A_72 = vector.broadcast %exp3A : vector<512x1xf32> to vector<512x96xf32>
    %mul3A_73 = arith.mulf %mul3A_72, %broadcast_in_dim3A_60 : vector<512x96xf32>
    %add3A_74 = arith.addf %mul3A_73, %dot_general3A_71 : vector<512x96xf32>
    %slice3A_75 = vector.extract_strided_slice %div3A_55 {offsets = [0, 1024], sizes = [512, 1024], strides = [1, 1]} : vector<512x2048xf32> to vector<512x1024xf32>
    %reduce_max3A_76 = arith.constant dense<0xFF800000> : vector<512xf32>
    %reduce_max3A_77 = vector.multi_reduction <maximumf>, %slice3A_75, %reduce_max3A_76 [1] : vector<512x1024xf32> to vector<512xf32>
    %broadcast_in_dim3A_78 = vector.shape_cast %reduce_max3A_77 : vector<512xf32> to vector<512x1xf32>
    %max3A_79 = arith.maximumf %max3A, %broadcast_in_dim3A_78 : vector<512x1xf32>
    %sub3A_80 = arith.subf %max3A, %max3A_79 : vector<512x1xf32>
    %exp3A_81 = math.exp %sub3A_80 : vector<512x1xf32>
    %sub3A_82 = vector.broadcast %max3A_79 : vector<512x1xf32> to vector<512x1024xf32>
    %sub3A_83 = arith.subf %slice3A_75, %sub3A_82 : vector<512x1024xf32>
    %exp3A_84 = math.exp %sub3A_83 : vector<512x1024xf32>
    %mul3A_85 = arith.mulf %add3A_68, %exp3A_81 : vector<512x1xf32>
    %reduce_sum3A_86 = arith.constant dense<0.000000e+00> : vector<512xf32>
    %reduce_sum3A_87 = vector.multi_reduction <add>, %exp3A_84, %reduce_sum3A_86 [1] : vector<512x1024xf32> to vector<512xf32>
    %broadcast_in_dim3A_88 = vector.shape_cast %reduce_sum3A_87 : vector<512xf32> to vector<512x1xf32>
    %add3A_89 = arith.addf %mul3A_85, %broadcast_in_dim3A_88 : vector<512x1xf32>
    %slice3A_90 = vector.extract_strided_slice %add3A_29 {offsets = [1024, 0], sizes = [1024, 96], strides = [1, 1]} : vector<2048x96xf32> to vector<1024x96xf32>
    %dot_general3A_91 = arith.constant dense<0.000000e+00> : vector<512x96xf32>
    %dot_general3A_92 = tpu.matmul %exp3A_84, %slice3A_90, %dot_general3A_91 {dimension_numbers = #tpu.dot_dimension_numbers<[1], [0], [0], [1], [0, 0, 1, 1], [], []>, transpose_lhs_hint = false} : vector<512x1024xf32>, vector<1024x96xf32>, vector<512x96xf32> -> vector<512x96xf32>
    %mul3A_93 = vector.broadcast %exp3A_81 : vector<512x1xf32> to vector<512x96xf32>
    %mul3A_94 = arith.mulf %mul3A_93, %add3A_74 : vector<512x96xf32>
    %add3A_95 = arith.addf %mul3A_94, %dot_general3A_92 : vector<512x96xf32>
    %div3A_96 = vector.broadcast %add3A_89 : vector<512x1xf32> to vector<512x96xf32>
    %div3A_97 = arith.divf %add3A_95, %div3A_96 : vector<512x96xf32>
    %dot_general3A_98 = arith.constant dense<0.000000e+00> : vector<512x768xf32>
    %dot_general3A_99 = tpu.matmul %div3A_97, %get3A_39, %dot_general3A_98 {dimension_numbers = #tpu.dot_dimension_numbers<[1], [1], [0], [0], [0, 0, 1, 0], [], []>, transpose_lhs_hint = false} : vector<512x96xf32>, vector<768x96xf32>, vector<512x768xf32> -> vector<512x768xf32>
    %get3A_100 = arith.constant 0 : index
    %get3A_101 = arith.constant 0 : index
    %get3A_102 = vector.load %arg18[%get3A_100, %get3A_101] : memref<2048x768xf32, #tpu.memory_space<vmem>>, vector<512x768xf32>
    %add3A_103 = arith.addf %get3A_102, %dot_general3A_99 : vector<512x768xf32>
    %swap3A = arith.constant 0 : index
    %swap3A_104 = arith.constant 0 : index
    %swap3A_105 = vector.load %arg18[%swap3A, %swap3A_104] : memref<2048x768xf32, #tpu.memory_space<vmem>>, vector<512x768xf32>
    tpu.vector_store %arg18[%swap3A, %swap3A_104], %add3A_103 {strides = array<i32>} : memref<2048x768xf32, #tpu.memory_space<vmem>>, vector<512x768xf32>,
    %get3A_106 = arith.constant 512 : index
    %get3A_107 = arith.constant 0 : index
    %get3A_108 = vector.load %arg1[%get3A_106, %get3A_107] : memref<2048x768xf32, #tpu.memory_space<vmem>>, vector<512x768xf32>
    %dot_general3A_109 = arith.constant dense<0.000000e+00> : vector<512x96xf32>
    %dot_general3A_110 = tpu.matmul %get3A_108, %get3A_34, %dot_general3A_109 {dimension_numbers = #tpu.dot_dimension_numbers<[1], [1], [0], [0], [0, 0, 1, 0], [], []>, transpose_lhs_hint = false} : vector<512x768xf32>, vector<96x768xf32>, vector<512x96xf32> -> vector<512x96xf32>
    %get3A_111 = arith.constant 0 : index
    %get3A_112 = arith.constant 0 : index
    %get3A_113 = arith.constant 0 : index
    %get3A_114 = vector.load %arg5[%get3A_111, %get3A_112, %get3A_113] : memref<1x1x96xf32, #tpu.memory_space<vmem>>, vector<1x1x96xf32>
    %get3A_115 = vector.shape_cast %get3A_114 : vector<1x1x96xf32> to vector<1x96xf32>
    %add3A_116 = vector.broadcast %get3A_115 : vector<1x96xf32> to vector<512x96xf32>
    %add3A_117 = arith.addf %dot_general3A_110, %add3A_116 : vector<512x96xf32>
    %dot_general3A_118 = arith.constant dense<0.000000e+00> : vector<512x2048xf32>
    %dot_general3A_119 = tpu.matmul %add3A_117, %add3A_20, %dot_general3A_118 {dimension_numbers = #tpu.dot_dimension_numbers<[1], [1], [0], [0], [0, 0, 1, 0], [], []>, transpose_lhs_hint = false} : vector<512x96xf32>, vector<2048x96xf32>, vector<512x2048xf32> -> vector<512x2048xf32>
    %sqrt3A_120 = arith.constant 9.600000e+01 : f32
    %sqrt3A_121 = math.sqrt %sqrt3A_120 : f32
    %div3A_122 = vector.broadcast %sqrt3A_121 : f32 to vector<512x2048xf32>
    %div3A_123 = arith.divf %dot_general3A_119, %div3A_122 : vector<512x2048xf32>
    %broadcast_in_dim3A_124 = arith.constant 0xFF800000 : f32
    %broadcast_in_dim3A_125 = vector.broadcast %broadcast_in_dim3A_124 : f32 to vector<512x1xf32>
    %broadcast_in_dim3A_126 = arith.constant 0.000000e+00 : f32
    %broadcast_in_dim3A_127 = vector.broadcast %broadcast_in_dim3A_126 : f32 to vector<512x1xf32>
    %broadcast_in_dim3A_128 = arith.constant 0.000000e+00 : f32
    %broadcast_in_dim3A_129 = vector.broadcast %broadcast_in_dim3A_128 : f32 to vector<512x96xf32>
    %slice3A_130 = vector.extract_strided_slice %div3A_123 {offsets = [0, 0], sizes = [512, 1024], strides = [1, 1]} : vector<512x2048xf32> to vector<512x1024xf32>
    %reduce_max3A_131 = arith.constant dense<0xFF800000> : vector<512xf32>
    %reduce_max3A_132 = vector.multi_reduction <maximumf>, %slice3A_130, %reduce_max3A_131 [1] : vector<512x1024xf32> to vector<512xf32>
    %broadcast_in_dim3A_133 = vector.shape_cast %reduce_max3A_132 : vector<512xf32> to vector<512x1xf32>
    %max3A_134 = arith.maximumf %broadcast_in_dim3A_125, %broadcast_in_dim3A_133 : vector<512x1xf32>
    %sub3A_135 = arith.subf %broadcast_in_dim3A_125, %max3A_134 : vector<512x1xf32>
    %exp3A_136 = math.exp %sub3A_135 : vector<512x1xf32>
    %sub3A_137 = vector.broadcast %max3A_134 : vector<512x1xf32> to vector<512x1024xf32>
    %sub3A_138 = arith.subf %slice3A_130, %sub3A_137 : vector<512x1024xf32>
    %exp3A_139 = math.exp %sub3A_138 : vector<512x1024xf32>
    %mul3A_140 = arith.mulf %broadcast_in_dim3A_127, %exp3A_136 : vector<512x1xf32>
    %reduce_sum3A_141 = arith.constant dense<0.000000e+00> : vector<512xf32>
    %reduce_sum3A_142 = vector.multi_reduction <add>, %exp3A_139, %reduce_sum3A_141 [1] : vector<512x1024xf32> to vector<512xf32>
    %broadcast_in_dim3A_143 = vector.shape_cast %reduce_sum3A_142 : vector<512xf32> to vector<512x1xf32>
    %add3A_144 = arith.addf %mul3A_140, %broadcast_in_dim3A_143 : vector<512x1xf32>
    %slice3A_145 = vector.extract_strided_slice %add3A_29 {offsets = [0, 0], sizes = [1024, 96], strides = [1, 1]} : vector<2048x96xf32> to vector<1024x96xf32>
    %dot_general3A_146 = arith.constant dense<0.000000e+00> : vector<512x96xf32>
    %dot_general3A_147 = tpu.matmul %exp3A_139, %slice3A_145, %dot_general3A_146 {dimension_numbers = #tpu.dot_dimension_numbers<[1], [0], [0], [1], [0, 0, 1, 1], [], []>, transpose_lhs_hint = false} : vector<512x1024xf32>, vector<1024x96xf32>, vector<512x96xf32> -> vector<512x96xf32>
    %mul3A_148 = vector.broadcast %exp3A_136 : vector<512x1xf32> to vector<512x96xf32>
    %mul3A_149 = arith.mulf %mul3A_148, %broadcast_in_dim3A_129 : vector<512x96xf32>
    %add3A_150 = arith.addf %mul3A_149, %dot_general3A_147 : vector<512x96xf32>
    %slice3A_151 = vector.extract_strided_slice %div3A_123 {offsets = [0, 1024], sizes = [512, 1024], strides = [1, 1]} : vector<512x2048xf32> to vector<512x1024xf32>
    %reduce_max3A_152 = arith.constant dense<0xFF800000> : vector<512xf32>
    %reduce_max3A_153 = vector.multi_reduction <maximumf>, %slice3A_151, %reduce_max3A_152 [1] : vector<512x1024xf32> to vector<512xf32>
    %broadcast_in_dim3A_154 = vector.shape_cast %reduce_max3A_153 : vector<512xf32> to vector<512x1xf32>
    %max3A_155 = arith.maximumf %max3A_134, %broadcast_in_dim3A_154 : vector<512x1xf32>
    %sub3A_156 = arith.subf %max3A_134, %max3A_155 : vector<512x1xf32>
    %exp3A_157 = math.exp %sub3A_156 : vector<512x1xf32>
    %sub3A_158 = vector.broadcast %max3A_155 : vector<512x1xf32> to vector<512x1024xf32>
    %sub3A_159 = arith.subf %slice3A_151, %sub3A_158 : vector<512x1024xf32>
    %exp3A_160 = math.exp %sub3A_159 : vector<512x1024xf32>
    %mul3A_161 = arith.mulf %add3A_144, %exp3A_157 : vector<512x1xf32>
    %reduce_sum3A_162 = arith.constant dense<0.000000e+00> : vector<512xf32>
    %reduce_sum3A_163 = vector.multi_reduction <add>, %exp3A_160, %reduce_sum3A_162 [1] : vector<512x1024xf32> to vector<512xf32>
    %broadcast_in_dim3A_164 = vector.shape_cast %reduce_sum3A_163 : vector<512xf32> to vector<512x1xf32>
    %add3A_165 = arith.addf %mul3A_161, %broadcast_in_dim3A_164 : vector<512x1xf32>
    %slice3A_166 = vector.extract_strided_slice %add3A_29 {offsets = [1024, 0], sizes = [1024, 96], strides = [1, 1]} : vector<2048x96xf32> to vector<1024x96xf32>
    %dot_general3A_167 = arith.constant dense<0.000000e+00> : vector<512x96xf32>
    %dot_general3A_168 = tpu.matmul %exp3A_160, %slice3A_166, %dot_general3A_167 {dimension_numbers = #tpu.dot_dimension_numbers<[1], [0], [0], [1], [0, 0, 1, 1], [], []>, transpose_lhs_hint = false} : vector<512x1024xf32>, vector<1024x96xf32>, vector<512x96xf32> -> vector<512x96xf32>
    %mul3A_169 = vector.broadcast %exp3A_157 : vector<512x1xf32> to vector<512x96xf32>
    %mul3A_170 = arith.mulf %mul3A_169, %add3A_150 : vector<512x96xf32>
    %add3A_171 = arith.addf %mul3A_170, %dot_general3A_168 : vector<512x96xf32>
    %div3A_172 = vector.broadcast %add3A_165 : vector<512x1xf32> to vector<512x96xf32>
    %div3A_173 = arith.divf %add3A_171, %div3A_172 : vector<512x96xf32>
    %dot_general3A_174 = arith.constant dense<0.000000e+00> : vector<512x768xf32>
    %dot_general3A_175 = tpu.matmul %div3A_173, %get3A_39, %dot_general3A_174 {dimension_numbers = #tpu.dot_dimension_numbers<[1], [1], [0], [0], [0, 0, 1, 0], [], []>, transpose_lhs_hint = false} : vector<512x96xf32>, vector<768x96xf32>, vector<512x768xf32> -> vector<512x768xf32>
    %get3A_176 = arith.constant 512 : index
    %get3A_177 = arith.constant 0 : index
    %get3A_178 = vector.load %arg18[%get3A_176, %get3A_177] : memref<2048x768xf32, #tpu.memory_space<vmem>>, vector<512x768xf32>
    %add3A_179 = arith.addf %get3A_178, %dot_general3A_175 : vector<512x768xf32>
    %swap3A_180 = arith.constant 512 : index
    %swap3A_181 = arith.constant 0 : index
    %swap3A_182 = vector.load %arg18[%swap3A_180, %swap3A_181] : memref<2048x768xf32, #tpu.memory_space<vmem>>, vector<512x768xf32>
    tpu.vector_store %arg18[%swap3A_180, %swap3A_181], %add3A_179 {strides = array<i32>} : memref<2048x768xf32, #tpu.memory_space<vmem>>, vector<512x768xf32>,
    %get3A_183 = arith.constant 1024 : index
    %get3A_184 = arith.constant 0 : index
    %get3A_185 = vector.load %arg1[%get3A_183, %get3A_184] : memref<2048x768xf32, #tpu.memory_space<vmem>>, vector<512x768xf32>
    %dot_general3A_186 = arith.constant dense<0.000000e+00> : vector<512x96xf32>
    %dot_general3A_187 = tpu.matmul %get3A_185, %get3A_34, %dot_general3A_186 {dimension_numbers = #tpu.dot_dimension_numbers<[1], [1], [0], [0], [0, 0, 1, 0], [], []>, transpose_lhs_hint = false} : vector<512x768xf32>, vector<96x768xf32>, vector<512x96xf32> -> vector<512x96xf32>
    %get3A_188 = arith.constant 0 : index
    %get3A_189 = arith.constant 0 : index
    %get3A_190 = arith.constant 0 : index
    %get3A_191 = vector.load %arg5[%get3A_188, %get3A_189, %get3A_190] : memref<1x1x96xf32, #tpu.memory_space<vmem>>, vector<1x1x96xf32>
    %get3A_192 = vector.shape_cast %get3A_191 : vector<1x1x96xf32> to vector<1x96xf32>
    %add3A_193 = vector.broadcast %get3A_192 : vector<1x96xf32> to vector<512x96xf32>
    %add3A_194 = arith.addf %dot_general3A_187, %add3A_193 : vector<512x96xf32>
    %dot_general3A_195 = arith.constant dense<0.000000e+00> : vector<512x2048xf32>
    %dot_general3A_196 = tpu.matmul %add3A_194, %add3A_20, %dot_general3A_195 {dimension_numbers = #tpu.dot_dimension_numbers<[1], [1], [0], [0], [0, 0, 1, 0], [], []>, transpose_lhs_hint = false} : vector<512x96xf32>, vector<2048x96xf32>, vector<512x2048xf32> -> vector<512x2048xf32>
    %sqrt3A_197 = arith.constant 9.600000e+01 : f32
    %sqrt3A_198 = math.sqrt %sqrt3A_197 : f32
    %div3A_199 = vector.broadcast %sqrt3A_198 : f32 to vector<512x2048xf32>
    %div3A_200 = arith.divf %dot_general3A_196, %div3A_199 : vector<512x2048xf32>
    %broadcast_in_dim3A_201 = arith.constant 0xFF800000 : f32
    %broadcast_in_dim3A_202 = vector.broadcast %broadcast_in_dim3A_201 : f32 to vector<512x1xf32>
    %broadcast_in_dim3A_203 = arith.constant 0.000000e+00 : f32
    %broadcast_in_dim3A_204 = vector.broadcast %broadcast_in_dim3A_203 : f32 to vector<512x1xf32>
    %broadcast_in_dim3A_205 = arith.constant 0.000000e+00 : f32
    %broadcast_in_dim3A_206 = vector.broadcast %broadcast_in_dim3A_205 : f32 to vector<512x96xf32>
    %slice3A_207 = vector.extract_strided_slice %div3A_200 {offsets = [0, 0], sizes = [512, 1024], strides = [1, 1]} : vector<512x2048xf32> to vector<512x1024xf32>
    %reduce_max3A_208 = arith.constant dense<0xFF800000> : vector<512xf32>
    %reduce_max3A_209 = vector.multi_reduction <maximumf>, %slice3A_207, %reduce_max3A_208 [1] : vector<512x1024xf32> to vector<512xf32>
    %broadcast_in_dim3A_210 = vector.shape_cast %reduce_max3A_209 : vector<512xf32> to vector<512x1xf32>
    %max3A_211 = arith.maximumf %broadcast_in_dim3A_202, %broadcast_in_dim3A_210 : vector<512x1xf32>
    %sub3A_212 = arith.subf %broadcast_in_dim3A_202, %max3A_211 : vector<512x1xf32>
    %exp3A_213 = math.exp %sub3A_212 : vector<512x1xf32>
    %sub3A_214 = vector.broadcast %max3A_211 : vector<512x1xf32> to vector<512x1024xf32>
    %sub3A_215 = arith.subf %slice3A_207, %sub3A_214 : vector<512x1024xf32>
    %exp3A_216 = math.exp %sub3A_215 : vector<512x1024xf32>
    %mul3A_217 = arith.mulf %broadcast_in_dim3A_204, %exp3A_213 : vector<512x1xf32>
    %reduce_sum3A_218 = arith.constant dense<0.000000e+00> : vector<512xf32>
    %reduce_sum3A_219 = vector.multi_reduction <add>, %exp3A_216, %reduce_sum3A_218 [1] : vector<512x1024xf32> to vector<512xf32>
    %broadcast_in_dim3A_220 = vector.shape_cast %reduce_sum3A_219 : vector<512xf32> to vector<512x1xf32>
    %add3A_221 = arith.addf %mul3A_217, %broadcast_in_dim3A_220 : vector<512x1xf32>
    %slice3A_222 = vector.extract_strided_slice %add3A_29 {offsets = [0, 0], sizes = [1024, 96], strides = [1, 1]} : vector<2048x96xf32> to vector<1024x96xf32>
    %dot_general3A_223 = arith.constant dense<0.000000e+00> : vector<512x96xf32>
    %dot_general3A_224 = tpu.matmul %exp3A_216, %slice3A_222, %dot_general3A_223 {dimension_numbers = #tpu.dot_dimension_numbers<[1], [0], [0], [1], [0, 0, 1, 1], [], []>, transpose_lhs_hint = false} : vector<512x1024xf32>, vector<1024x96xf32>, vector<512x96xf32> -> vector<512x96xf32>
    %mul3A_225 = vector.broadcast %exp3A_213 : vector<512x1xf32> to vector<512x96xf32>
    %mul3A_226 = arith.mulf %mul3A_225, %broadcast_in_dim3A_206 : vector<512x96xf32>
    %add3A_227 = arith.addf %mul3A_226, %dot_general3A_224 : vector<512x96xf32>
    %slice3A_228 = vector.extract_strided_slice %div3A_200 {offsets = [0, 1024], sizes = [512, 1024], strides = [1, 1]} : vector<512x2048xf32> to vector<512x1024xf32>
    %reduce_max3A_229 = arith.constant dense<0xFF800000> : vector<512xf32>
    %reduce_max3A_230 = vector.multi_reduction <maximumf>, %slice3A_228, %reduce_max3A_229 [1] : vector<512x1024xf32> to vector<512xf32>
    %broadcast_in_dim3A_231 = vector.shape_cast %reduce_max3A_230 : vector<512xf32> to vector<512x1xf32>
    %max3A_232 = arith.maximumf %max3A_211, %broadcast_in_dim3A_231 : vector<512x1xf32>
    %sub3A_233 = arith.subf %max3A_211, %max3A_232 : vector<512x1xf32>
    %exp3A_234 = math.exp %sub3A_233 : vector<512x1xf32>
    %sub3A_235 = vector.broadcast %max3A_232 : vector<512x1xf32> to vector<512x1024xf32>
    %sub3A_236 = arith.subf %slice3A_228, %sub3A_235 : vector<512x1024xf32>
    %exp3A_237 = math.exp %sub3A_236 : vector<512x1024xf32>
    %mul3A_238 = arith.mulf %add3A_221, %exp3A_234 : vector<512x1xf32>
    %reduce_sum3A_239 = arith.constant dense<0.000000e+00> : vector<512xf32>
    %reduce_sum3A_240 = vector.multi_reduction <add>, %exp3A_237, %reduce_sum3A_239 [1] : vector<512x1024xf32> to vector<512xf32>
    %broadcast_in_dim3A_241 = vector.shape_cast %reduce_sum3A_240 : vector<512xf32> to vector<512x1xf32>
    %add3A_242 = arith.addf %mul3A_238, %broadcast_in_dim3A_241 : vector<512x1xf32>
    %slice3A_243 = vector.extract_strided_slice %add3A_29 {offsets = [1024, 0], sizes = [1024, 96], strides = [1, 1]} : vector<2048x96xf32> to vector<1024x96xf32>
    %dot_general3A_244 = arith.constant dense<0.000000e+00> : vector<512x96xf32>
    %dot_general3A_245 = tpu.matmul %exp3A_237, %slice3A_243, %dot_general3A_244 {dimension_numbers = #tpu.dot_dimension_numbers<[1], [0], [0], [1], [0, 0, 1, 1], [], []>, transpose_lhs_hint = false} : vector<512x1024xf32>, vector<1024x96xf32>, vector<512x96xf32> -> vector<512x96xf32>
    %mul3A_246 = vector.broadcast %exp3A_234 : vector<512x1xf32> to vector<512x96xf32>
    %mul3A_247 = arith.mulf %mul3A_246, %add3A_227 : vector<512x96xf32>
    %add3A_248 = arith.addf %mul3A_247, %dot_general3A_245 : vector<512x96xf32>
    %div3A_249 = vector.broadcast %add3A_242 : vector<512x1xf32> to vector<512x96xf32>
    %div3A_250 = arith.divf %add3A_248, %div3A_249 : vector<512x96xf32>
    %dot_general3A_251 = arith.constant dense<0.000000e+00> : vector<512x768xf32>
    %dot_general3A_252 = tpu.matmul %div3A_250, %get3A_39, %dot_general3A_251 {dimension_numbers = #tpu.dot_dimension_numbers<[1], [1], [0], [0], [0, 0, 1, 0], [], []>, transpose_lhs_hint = false} : vector<512x96xf32>, vector<768x96xf32>, vector<512x768xf32> -> vector<512x768xf32>
    %get3A_253 = arith.constant 1024 : index
    %get3A_254 = arith.constant 0 : index
    %get3A_255 = vector.load %arg18[%get3A_253, %get3A_254] : memref<2048x768xf32, #tpu.memory_space<vmem>>, vector<512x768xf32>
    %add3A_256 = arith.addf %get3A_255, %dot_general3A_252 : vector<512x768xf32>
    %swap3A_257 = arith.constant 1024 : index
    %swap3A_258 = arith.constant 0 : index
    %swap3A_259 = vector.load %arg18[%swap3A_257, %swap3A_258] : memref<2048x768xf32, #tpu.memory_space<vmem>>, vector<512x768xf32>
    tpu.vector_store %arg18[%swap3A_257, %swap3A_258], %add3A_256 {strides = array<i32>} : memref<2048x768xf32, #tpu.memory_space<vmem>>, vector<512x768xf32>,
    %get3A_260 = arith.constant 1536 : index
    %get3A_261 = arith.constant 0 : index
    %get3A_262 = vector.load %arg1[%get3A_260, %get3A_261] : memref<2048x768xf32, #tpu.memory_space<vmem>>, vector<512x768xf32>
    %dot_general3A_263 = arith.constant dense<0.000000e+00> : vector<512x96xf32>
    %dot_general3A_264 = tpu.matmul %get3A_262, %get3A_34, %dot_general3A_263 {dimension_numbers = #tpu.dot_dimension_numbers<[1], [1], [0], [0], [0, 0, 1, 0], [], []>, transpose_lhs_hint = false} : vector<512x768xf32>, vector<96x768xf32>, vector<512x96xf32> -> vector<512x96xf32>
    %get3A_265 = arith.constant 0 : index
    %get3A_266 = arith.constant 0 : index
    %get3A_267 = arith.constant 0 : index
    %get3A_268 = vector.load %arg5[%get3A_265, %get3A_266, %get3A_267] : memref<1x1x96xf32, #tpu.memory_space<vmem>>, vector<1x1x96xf32>
    %get3A_269 = vector.shape_cast %get3A_268 : vector<1x1x96xf32> to vector<1x96xf32>
    %add3A_270 = vector.broadcast %get3A_269 : vector<1x96xf32> to vector<512x96xf32>
    %add3A_271 = arith.addf %dot_general3A_264, %add3A_270 : vector<512x96xf32>
    %dot_general3A_272 = arith.constant dense<0.000000e+00> : vector<512x2048xf32>
    %dot_general3A_273 = tpu.matmul %add3A_271, %add3A_20, %dot_general3A_272 {dimension_numbers = #tpu.dot_dimension_numbers<[1], [1], [0], [0], [0, 0, 1, 0], [], []>, transpose_lhs_hint = false} : vector<512x96xf32>, vector<2048x96xf32>, vector<512x2048xf32> -> vector<512x2048xf32>
    %sqrt3A_274 = arith.constant 9.600000e+01 : f32
    %sqrt3A_275 = math.sqrt %sqrt3A_274 : f32
    %div3A_276 = vector.broadcast %sqrt3A_275 : f32 to vector<512x2048xf32>
    %div3A_277 = arith.divf %dot_general3A_273, %div3A_276 : vector<512x2048xf32>
    %broadcast_in_dim3A_278 = arith.constant 0xFF800000 : f32
    %broadcast_in_dim3A_279 = vector.broadcast %broadcast_in_dim3A_278 : f32 to vector<512x1xf32>
    %broadcast_in_dim3A_280 = arith.constant 0.000000e+00 : f32
    %broadcast_in_dim3A_281 = vector.broadcast %broadcast_in_dim3A_280 : f32 to vector<512x1xf32>
    %broadcast_in_dim3A_282 = arith.constant 0.000000e+00 : f32
    %broadcast_in_dim3A_283 = vector.broadcast %broadcast_in_dim3A_282 : f32 to vector<512x96xf32>
    %slice3A_284 = vector.extract_strided_slice %div3A_277 {offsets = [0, 0], sizes = [512, 1024], strides = [1, 1]} : vector<512x2048xf32> to vector<512x1024xf32>
    %reduce_max3A_285 = arith.constant dense<0xFF800000> : vector<512xf32>
    %reduce_max3A_286 = vector.multi_reduction <maximumf>, %slice3A_284, %reduce_max3A_285 [1] : vector<512x1024xf32> to vector<512xf32>
    %broadcast_in_dim3A_287 = vector.shape_cast %reduce_max3A_286 : vector<512xf32> to vector<512x1xf32>
    %max3A_288 = arith.maximumf %broadcast_in_dim3A_279, %broadcast_in_dim3A_287 : vector<512x1xf32>
    %sub3A_289 = arith.subf %broadcast_in_dim3A_279, %max3A_288 : vector<512x1xf32>
    %exp3A_290 = math.exp %sub3A_289 : vector<512x1xf32>
    %sub3A_291 = vector.broadcast %max3A_288 : vector<512x1xf32> to vector<512x1024xf32>
    %sub3A_292 = arith.subf %slice3A_284, %sub3A_291 : vector<512x1024xf32>
    %exp3A_293 = math.exp %sub3A_292 : vector<512x1024xf32>
    %mul3A_294 = arith.mulf %broadcast_in_dim3A_281, %exp3A_290 : vector<512x1xf32>
    %reduce_sum3A_295 = arith.constant dense<0.000000e+00> : vector<512xf32>
    %reduce_sum3A_296 = vector.multi_reduction <add>, %exp3A_293, %reduce_sum3A_295 [1] : vector<512x1024xf32> to vector<512xf32>
    %broadcast_in_dim3A_297 = vector.shape_cast %reduce_sum3A_296 : vector<512xf32> to vector<512x1xf32>
    %add3A_298 = arith.addf %mul3A_294, %broadcast_in_dim3A_297 : vector<512x1xf32>
    %slice3A_299 = vector.extract_strided_slice %add3A_29 {offsets = [0, 0], sizes = [1024, 96], strides = [1, 1]} : vector<2048x96xf32> to vector<1024x96xf32>
    %dot_general3A_300 = arith.constant dense<0.000000e+00> : vector<512x96xf32>
    %dot_general3A_301 = tpu.matmul %exp3A_293, %slice3A_299, %dot_general3A_300 {dimension_numbers = #tpu.dot_dimension_numbers<[1], [0], [0], [1], [0, 0, 1, 1], [], []>, transpose_lhs_hint = false} : vector<512x1024xf32>, vector<1024x96xf32>, vector<512x96xf32> -> vector<512x96xf32>
    %mul3A_302 = vector.broadcast %exp3A_290 : vector<512x1xf32> to vector<512x96xf32>
    %mul3A_303 = arith.mulf %mul3A_302, %broadcast_in_dim3A_283 : vector<512x96xf32>
    %add3A_304 = arith.addf %mul3A_303, %dot_general3A_301 : vector<512x96xf32>
    %slice3A_305 = vector.extract_strided_slice %div3A_277 {offsets = [0, 1024], sizes = [512, 1024], strides = [1, 1]} : vector<512x2048xf32> to vector<512x1024xf32>
    %reduce_max3A_306 = arith.constant dense<0xFF800000> : vector<512xf32>
    %reduce_max3A_307 = vector.multi_reduction <maximumf>, %slice3A_305, %reduce_max3A_306 [1] : vector<512x1024xf32> to vector<512xf32>
    %broadcast_in_dim3A_308 = vector.shape_cast %reduce_max3A_307 : vector<512xf32> to vector<512x1xf32>
    %max3A_309 = arith.maximumf %max3A_288, %broadcast_in_dim3A_308 : vector<512x1xf32>
    %sub3A_310 = arith.subf %max3A_288, %max3A_309 : vector<512x1xf32>
    %exp3A_311 = math.exp %sub3A_310 : vector<512x1xf32>
    %sub3A_312 = vector.broadcast %max3A_309 : vector<512x1xf32> to vector<512x1024xf32>
    %sub3A_313 = arith.subf %slice3A_305, %sub3A_312 : vector<512x1024xf32>
    %exp3A_314 = math.exp %sub3A_313 : vector<512x1024xf32>
    %mul3A_315 = arith.mulf %add3A_298, %exp3A_311 : vector<512x1xf32>
    %reduce_sum3A_316 = arith.constant dense<0.000000e+00> : vector<512xf32>
    %reduce_sum3A_317 = vector.multi_reduction <add>, %exp3A_314, %reduce_sum3A_316 [1] : vector<512x1024xf32> to vector<512xf32>
    %broadcast_in_dim3A_318 = vector.shape_cast %reduce_sum3A_317 : vector<512xf32> to vector<512x1xf32>
    %add3A_319 = arith.addf %mul3A_315, %broadcast_in_dim3A_318 : vector<512x1xf32>
    %slice3A_320 = vector.extract_strided_slice %add3A_29 {offsets = [1024, 0], sizes = [1024, 96], strides = [1, 1]} : vector<2048x96xf32> to vector<1024x96xf32>
    %dot_general3A_321 = arith.constant dense<0.000000e+00> : vector<512x96xf32>
    %dot_general3A_322 = tpu.matmul %exp3A_314, %slice3A_320, %dot_general3A_321 {dimension_numbers = #tpu.dot_dimension_numbers<[1], [0], [0], [1], [0, 0, 1, 1], [], []>, transpose_lhs_hint = false} : vector<512x1024xf32>, vector<1024x96xf32>, vector<512x96xf32> -> vector<512x96xf32>
    %mul3A_323 = vector.broadcast %exp3A_311 : vector<512x1xf32> to vector<512x96xf32>
    %mul3A_324 = arith.mulf %mul3A_323, %add3A_304 : vector<512x96xf32>
    %add3A_325 = arith.addf %mul3A_324, %dot_general3A_322 : vector<512x96xf32>
    %div3A_326 = vector.broadcast %add3A_319 : vector<512x1xf32> to vector<512x96xf32>
    %div3A_327 = arith.divf %add3A_325, %div3A_326 : vector<512x96xf32>
    %dot_general3A_328 = arith.constant dense<0.000000e+00> : vector<512x768xf32>
    %dot_general3A_329 = tpu.matmul %div3A_327, %get3A_39, %dot_general3A_328 {dimension_numbers = #tpu.dot_dimension_numbers<[1], [1], [0], [0], [0, 0, 1, 0], [], []>, transpose_lhs_hint = false} : vector<512x96xf32>, vector<768x96xf32>, vector<512x768xf32> -> vector<512x768xf32>
    %get3A_330 = arith.constant 1536 : index
    %get3A_331 = arith.constant 0 : index
    %get3A_332 = vector.load %arg18[%get3A_330, %get3A_331] : memref<2048x768xf32, #tpu.memory_space<vmem>>, vector<512x768xf32>
    %add3A_333 = arith.addf %get3A_332, %dot_general3A_329 : vector<512x768xf32>
    %swap3A_334 = arith.constant 1536 : index
    %swap3A_335 = arith.constant 0 : index
    %swap3A_336 = vector.load %arg18[%swap3A_334, %swap3A_335] : memref<2048x768xf32, #tpu.memory_space<vmem>>, vector<512x768xf32>
    tpu.vector_store %arg18[%swap3A_334, %swap3A_335], %add3A_333 {strides = array<i32>} : memref<2048x768xf32, #tpu.memory_space<vmem>>, vector<512x768xf32>,
    %eq3A_337 = arith.constant 7 : i32
    %eq3A_338 = arith.cmpi eq, %arg0, %eq3A_337 : i32
    %convert_element_type3A_339 = arith.extui %eq3A_338 : i1 to i32
    %cond3A_340 = arith.constant 0 : i32
    %cond3A_341 = arith.cmpi ne, %convert_element_type3A_339, %cond3A_340 : i32
    scf.if %cond3A_341 {
      %get3A_342 = arith.constant 0 : index
      %get3A_343 = arith.constant 0 : index
      %get3A_344 = vector.load %arg1[%get3A_342, %get3A_343] : memref<2048x768xf32, #tpu.memory_space<vmem>>, vector<2048x768xf32>
      %get3A_345 = arith.constant 0 : index
      %get3A_346 = arith.constant 0 : index
      %get3A_347 = vector.load %arg18[%get3A_345, %get3A_346] : memref<2048x768xf32, #tpu.memory_space<vmem>>, vector<2048x768xf32>
      %get3A_348 = arith.constant 0 : index
      %get3A_349 = arith.constant 0 : index
      %get3A_350 = vector.load %arg9[%get3A_348, %get3A_349] : memref<1x768xf32, #tpu.memory_space<vmem>>, vector<1x768xf32>
      %add3A_351 = vector.broadcast %get3A_350 : vector<1x768xf32> to vector<2048x768xf32>
      %add3A_352 = arith.addf %get3A_347, %add3A_351 : vector<2048x768xf32>
      %add3A_353 = arith.addf %get3A_344, %add3A_352 : vector<2048x768xf32>
      %reduce_sum3A_354 = arith.constant dense<0.000000e+00> : vector<2048xf32>
      %reduce_sum3A_355 = vector.multi_reduction <add>, %add3A_353, %reduce_sum3A_354 [1] : vector<2048x768xf32> to vector<2048xf32>
      %broadcast_in_dim3A_356 = vector.shape_cast %reduce_sum3A_355 : vector<2048xf32> to vector<2048x1xf32>
      %mul3A_357 = arith.constant 0.00130208337 : f32
      %mul3A_358 = vector.broadcast %mul3A_357 : f32 to vector<2048x1xf32>
      %mul3A_359 = arith.mulf %broadcast_in_dim3A_356, %mul3A_358 : vector<2048x1xf32>
      %sub3A_360 = vector.broadcast %mul3A_359 : vector<2048x1xf32> to vector<2048x768xf32>
      %sub3A_361 = arith.subf %add3A_353, %sub3A_360 : vector<2048x768xf32>
      %integer_pow3A = arith.mulf %sub3A_361, %sub3A_361 : vector<2048x768xf32>
      %reduce_sum3A_362 = arith.constant dense<0.000000e+00> : vector<2048xf32>
      %reduce_sum3A_363 = vector.multi_reduction <add>, %integer_pow3A, %reduce_sum3A_362 [1] : vector<2048x768xf32> to vector<2048xf32>
      %broadcast_in_dim3A_364 = vector.shape_cast %reduce_sum3A_363 : vector<2048xf32> to vector<2048x1xf32>
      %mul3A_365 = arith.constant 0.00130208337 : f32
      %mul3A_366 = vector.broadcast %mul3A_365 : f32 to vector<2048x1xf32>
      %mul3A_367 = arith.mulf %broadcast_in_dim3A_364, %mul3A_366 : vector<2048x1xf32>
      %sub3A_368 = vector.broadcast %mul3A_359 : vector<2048x1xf32> to vector<2048x768xf32>
      %sub3A_369 = arith.subf %add3A_353, %sub3A_368 : vector<2048x768xf32>
      %add3A_370 = arith.constant 9.99999974E-6 : f32
      %add3A_371 = vector.broadcast %add3A_370 : f32 to vector<2048x1xf32>
      %add3A_372 = arith.addf %mul3A_367, %add3A_371 : vector<2048x1xf32>
      %sqrt3A_373 = math.sqrt %add3A_372 : vector<2048x1xf32>
      %div3A_374 = vector.broadcast %sqrt3A_373 : vector<2048x1xf32> to vector<2048x768xf32>
      %div3A_375 = arith.divf %sub3A_369, %div3A_374 : vector<2048x768xf32>
      %get3A_376 = arith.constant 0 : index
      %get3A_377 = arith.constant 0 : index
      %get3A_378 = vector.load %arg10[%get3A_376, %get3A_377] : memref<1x768xf32, #tpu.memory_space<vmem>>, vector<1x768xf32>
      %mul3A_379 = vector.broadcast %get3A_378 : vector<1x768xf32> to vector<2048x768xf32>
      %mul3A_380 = arith.mulf %div3A_375, %mul3A_379 : vector<2048x768xf32>
      %get3A_381 = arith.constant 0 : index
      %get3A_382 = arith.constant 0 : index
      %get3A_383 = vector.load %arg11[%get3A_381, %get3A_382] : memref<1x768xf32, #tpu.memory_space<vmem>>, vector<1x768xf32>
      %add3A_384 = vector.broadcast %get3A_383 : vector<1x768xf32> to vector<2048x768xf32>
      %add3A_385 = arith.addf %mul3A_380, %add3A_384 : vector<2048x768xf32>
      %swap3A_386 = arith.constant 0 : index
      %swap3A_387 = arith.constant 0 : index
      %swap3A_388 = vector.load %arg14[%swap3A_386, %swap3A_387] : memref<2048x768xf32, #tpu.memory_space<vmem>>, vector<2048x768xf32>
      tpu.vector_store %arg14[%swap3A_386, %swap3A_387], %add3A_385 {strides = array<i32>} : memref<2048x768xf32, #tpu.memory_space<vmem>>, vector<2048x768xf32>,
      %get3A_389 = arith.constant 0 : index
      %get3A_390 = arith.constant 0 : index
      %get3A_391 = vector.load %arg12[%get3A_389, %get3A_390] : memref<64x768xf32, #tpu.memory_space<vmem>>, vector<64x768xf32>
      %dot_general3A_392 = arith.constant dense<0.000000e+00> : vector<2048x64xf32>
      %dot_general3A_393 = tpu.matmul %add3A_385, %get3A_391, %dot_general3A_392 {dimension_numbers = #tpu.dot_dimension_numbers<[1], [1], [0], [0], [0, 0, 1, 0], [], []>, transpose_lhs_hint = false} : vector<2048x768xf32>, vector<64x768xf32>, vector<2048x64xf32> -> vector<2048x64xf32>
      %get3A_394 = arith.constant 0 : index
      %get3A_395 = arith.constant 0 : index
      %get3A_396 = vector.load %arg13[%get3A_394, %get3A_395] : memref<1x64xf32, #tpu.memory_space<vmem>>, vector<1x64xf32>
      %add3A_397 = vector.broadcast %get3A_396 : vector<1x64xf32> to vector<2048x64xf32>
      %add3A_398 = arith.addf %dot_general3A_393, %add3A_397 : vector<2048x64xf32>
      %reduce_max3A_399 = arith.constant dense<0xFF800000> : vector<2048xf32>
      %reduce_max3A_400 = vector.multi_reduction <maximumf>, %add3A_398, %reduce_max3A_399 [1] : vector<2048x64xf32> to vector<2048xf32>
      %broadcast_in_dim3A_401 = vector.shape_cast %reduce_max3A_400 : vector<2048xf32> to vector<2048x1xf32>
      %iota3A = tpu.iota {dimensions = array<i32: 1>} : vector<2048x64xi32>
      %convert_element_type3A_402 = arith.sitofp %iota3A : vector<2048x64xi32> to vector<2048x64xf32>
      %ge3A = vector.broadcast %broadcast_in_dim3A_401 : vector<2048x1xf32> to vector<2048x64xf32>
      %ge3A_403 = arith.cmpf oge, %add3A_398, %ge3A : vector<2048x64xf32>
      %jit3A = arith.constant 6.400000e+01 : f32
      %broadcast_in_dim3A_404 = vector.broadcast %jit3A : f32 to vector<2048x64xf32>
      %select_n3A = arith.select %ge3A_403, %convert_element_type3A_402, %broadcast_in_dim3A_404 : vector<2048x64xi1>, vector<2048x64xf32>
      %reduce_min3A = arith.constant dense<0x7F800000> : vector<2048xf32>
      %reduce_min3A_405 = vector.multi_reduction <minimumf>, %select_n3A, %reduce_min3A [1] : vector<2048x64xf32> to vector<2048xf32>
      %broadcast_in_dim3A_406 = vector.shape_cast %reduce_min3A_405 : vector<2048xf32> to vector<2048x1xf32>
      %swap3A_407 = arith.constant 0 : index
      %swap3A_408 = arith.constant 0 : index
      %swap3A_409 = vector.load %arg15[%swap3A_407, %swap3A_408] : memref<2048x1xf32, #tpu.memory_space<vmem>>, vector<2048x1xf32>
      tpu.vector_store %arg15[%swap3A_407, %swap3A_408], %broadcast_in_dim3A_401 {strides = array<i32>} : memref<2048x1xf32, #tpu.memory_space<vmem>>, vector<2048x1xf32>,
      %eq3A_410 = vector.broadcast %broadcast_in_dim3A_406 : vector<2048x1xf32> to vector<2048x64xf32>
      %eq3A_411 = arith.cmpf oeq, %eq3A_410, %convert_element_type3A_402 : vector<2048x64xf32>
      %convert_element_type3A_412 = arith.extui %eq3A_411 : vector<2048x64xi1> to vector<2048x64xi32>
      %convert_element_type3A_413 = arith.sitofp %convert_element_type3A_412 : vector<2048x64xi32> to vector<2048x64xf32>
      %iota3A_414 = tpu.iota {dimensions = array<i32: 0>} : vector<2048x2048xi32>
      %iota3A_415 = tpu.iota {dimensions = array<i32: 1>} : vector<2048x2048xi32>
      %ge3A_416 = arith.cmpi sge, %iota3A_414, %iota3A_415 : vector<2048x2048xi32>
      %convert_element_type3A_417 = arith.extui %ge3A_416 : vector<2048x2048xi1> to vector<2048x2048xi32>
      %convert_element_type3A_418 = arith.sitofp %convert_element_type3A_417 : vector<2048x2048xi32> to vector<2048x2048xf32>
      %dot_general3A_419 = arith.constant dense<0.000000e+00> : vector<2048x64xf32>
      %dot_general3A_420 = tpu.matmul %convert_element_type3A_418, %convert_element_type3A_413, %dot_general3A_419 {dimension_numbers = #tpu.dot_dimension_numbers<[1], [0], [0], [1], [0, 0, 1, 1], [], []>, transpose_lhs_hint = false} : vector<2048x2048xf32>, vector<2048x64xf32>, vector<2048x64xf32> -> vector<2048x64xf32>
      %slice3A_421 = vector.extract_strided_slice %dot_general3A_420 {offsets = [2047, 0], sizes = [1, 64], strides = [1, 1]} : vector<2048x64xf32> to vector<1x64xf32>
      %iota3A_422 = tpu.iota {dimensions = array<i32: 0>} : vector<64x64xi32>
      %iota3A_423 = tpu.iota {dimensions = array<i32: 1>} : vector<64x64xi32>
      %le3A = arith.cmpi sle, %iota3A_422, %iota3A_423 : vector<64x64xi32>
      %convert_element_type3A_424 = arith.extui %le3A : vector<64x64xi1> to vector<64x64xi32>
      %convert_element_type3A_425 = arith.sitofp %convert_element_type3A_424 : vector<64x64xi32> to vector<64x64xf32>
      %add3A_426 = arith.constant 1.270000e+02 : f32
      %add3A_427 = vector.broadcast %add3A_426 : f32 to vector<1x64xf32>
      %add3A_428 = arith.addf %slice3A_421, %add3A_427 : vector<1x64xf32>
      %mul3A_429 = arith.constant 7.812500e-03 : f32
      %mul3A_430 = vector.broadcast %mul3A_429 : f32 to vector<1x64xf32>
      %mul3A_431 = arith.mulf %add3A_428, %mul3A_430 : vector<1x64xf32>
      %floor3A = math.floor %mul3A_431 : vector<1x64xf32>
      %dot_general3A_432 = arith.constant dense<0.000000e+00> : vector<1x64xf32>
      %dot_general3A_433 = tpu.matmul %floor3A, %convert_element_type3A_425, %dot_general3A_432 {dimension_numbers = #tpu.dot_dimension_numbers<[1], [0], [0], [1], [0, 0, 1, 1], [], []>, transpose_lhs_hint = false} : vector<1x64xf32>, vector<64x64xf32>, vector<1x64xf32> -> vector<1x64xf32>
      %sub3A_434 = arith.subf %dot_general3A_433, %floor3A : vector<1x64xf32>
      %mul3A_435 = arith.constant 1.280000e+02 : f32
      %mul3A_436 = vector.broadcast %mul3A_435 : f32 to vector<1x64xf32>
      %mul3A_437 = arith.mulf %sub3A_434, %mul3A_436 : vector<1x64xf32>
      %add3A_438 = vector.broadcast %mul3A_437 : vector<1x64xf32> to vector<2048x64xf32>
      %add3A_439 = arith.addf %add3A_438, %dot_general3A_420 : vector<2048x64xf32>
      %sub3A_440 = arith.constant 1.000000e+00 : f32
      %sub3A_441 = vector.broadcast %sub3A_440 : f32 to vector<2048x64xf32>
      %sub3A_442 = arith.subf %add3A_439, %sub3A_441 : vector<2048x64xf32>
      %mul3A_443 = arith.mulf %convert_element_type3A_413, %sub3A_442 : vector<2048x64xf32>
      %reduce_sum3A_444 = arith.constant dense<0.000000e+00> : vector<2048xf32>
      %reduce_sum3A_445 = vector.multi_reduction <add>, %mul3A_443, %reduce_sum3A_444 [1] : vector<2048x64xf32> to vector<2048xf32>
      %broadcast_in_dim3A_446 = vector.shape_cast %reduce_sum3A_445 : vector<2048xf32> to vector<2048x1xf32>
      %convert_element_type3A_447 = arith.fptosi %broadcast_in_dim3A_446 : vector<2048x1xf32> to vector<2048x1xi32>
      %swap3A_448 = arith.constant 0 : index
      %swap3A_449 = arith.constant 0 : index
      %swap3A_450 = vector.load %arg16[%swap3A_448, %swap3A_449] : memref<2048x1xi32, #tpu.memory_space<vmem>>, vector<2048x1xi32>
      tpu.vector_store %arg16[%swap3A_448, %swap3A_449], %convert_element_type3A_447 {strides = array<i32>} : memref<2048x1xi32, #tpu.memory_space<vmem>>, vector<2048x1xi32>,
      %iota3A_451 = tpu.iota {dimensions = array<i32: 0>} : vector<80x1xi32>
      %convert_element_type3A_452 = arith.sitofp %iota3A_451 : vector<80x1xi32> to vector<80x1xf32>
      %ge3A_453 = vector.broadcast %convert_element_type3A_452 : vector<80x1xf32> to vector<80x64xf32>
      %ge3A_454 = vector.broadcast %dot_general3A_433 : vector<1x64xf32> to vector<80x64xf32>
      %ge3A_455 = arith.cmpf oge, %ge3A_453, %ge3A_454 : vector<80x64xf32>
      %convert_element_type3A_456 = arith.extui %ge3A_455 : vector<80x64xi1> to vector<80x64xi32>
      %convert_element_type3A_457 = arith.sitofp %convert_element_type3A_456 : vector<80x64xi32> to vector<80x64xf32>
      %reduce_sum3A_458 = arith.constant dense<0.000000e+00> : vector<80xf32>
      %reduce_sum3A_459 = vector.multi_reduction <add>, %convert_element_type3A_457, %reduce_sum3A_458 [1] : vector<80x64xf32> to vector<80xf32>
      %broadcast_in_dim3A_460 = vector.shape_cast %reduce_sum3A_459 : vector<80xf32> to vector<80x1xf32>
      %convert_element_type3A_461 = arith.fptosi %broadcast_in_dim3A_460 : vector<80x1xf32> to vector<80x1xi32>
      %swap3A_462 = arith.constant 0 : index
      %swap3A_463 = arith.constant 0 : index
      %swap3A_464 = vector.load %arg17[%swap3A_462, %swap3A_463] : memref<80x1xi32, #tpu.memory_space<vmem>>, vector<80x1xi32>
      tpu.vector_store %arg17[%swap3A_462, %swap3A_463], %convert_element_type3A_461 {strides = array<i32>} : memref<80x1xi32, #tpu.memory_space<vmem>>, vector<80x1xi32>,
    } else {
    }
    return
  }
  func.func @transform_0(%arg0: i32) -> (i32, i32) {
    %c0_i32 = arith.constant 0 : i32
    %c0_i32_0 = arith.constant 0 : i32
    %c0_i32_1 = arith.constant 0 : i32
    return %c0_i32, %c0_i32_0 : i32, i32
  }
  func.func @transform_1(%arg0: i32) -> (i32, i32, i32) {
    %c0_i32 = arith.constant 0 : i32
    %c0_i32_0 = arith.constant 0 : i32
    %c0_i32_1 = arith.constant 0 : i32
    return %arg0, %c0_i32, %c0_i32_0 : i32, i32, i32
  }
  func.func @transform_2(%arg0: i32) -> (i32, i32, i32) {
    %c0_i32 = arith.constant 0 : i32
    %c0_i32_0 = arith.constant 0 : i32
    %c0_i32_1 = arith.constant 0 : i32
    return %arg0, %c0_i32, %c0_i32_0 : i32, i32, i32
  }
  func.func @transform_3(%arg0: i32) -> (i32, i32, i32) {
    %c0_i32 = arith.constant 0 : i32
    %c0_i32_0 = arith.constant 0 : i32
    %c0_i32_1 = arith.constant 0 : i32
    return %arg0, %c0_i32, %c0_i32_0 : i32, i32, i32
  }
  func.func @transform_4(%arg0: i32) -> (i32, i32, i32) {
    %c0_i32 = arith.constant 0 : i32
    %c0_i32_0 = arith.constant 0 : i32
    %c0_i32_1 = arith.constant 0 : i32
    return %arg0, %c0_i32, %c0_i32_0 : i32, i32, i32
  }
  func.func @transform_5(%arg0: i32) -> (i32, i32, i32) {
    %c0_i32 = arith.constant 0 : i32
    %c0_i32_0 = arith.constant 0 : i32
    %c0_i32_1 = arith.constant 0 : i32
    return %arg0, %c0_i32, %c0_i32_0 : i32, i32, i32
  }
  func.func @transform_6(%arg0: i32) -> (i32, i32, i32) {
    %c0_i32 = arith.constant 0 : i32
    %c0_i32_0 = arith.constant 0 : i32
    %c0_i32_1 = arith.constant 0 : i32
    return %arg0, %c0_i32, %c0_i32_0 : i32, i32, i32
  }
  func.func @transform_7(%arg0: i32) -> (i32, i32, i32) {
    %c0_i32 = arith.constant 0 : i32
    %c0_i32_0 = arith.constant 0 : i32
    %c0_i32_1 = arith.constant 0 : i32
    return %arg0, %c0_i32, %c0_i32_0 : i32, i32, i32
  }
  func.func @transform_8(%arg0: i32) -> (i32, i32) {
    %c0_i32 = arith.constant 0 : i32
    %c0_i32_0 = arith.constant 0 : i32
    %c0_i32_1 = arith.constant 0 : i32
    return %c0_i32, %c0_i32_0 : i32, i32
  }
  func.func @transform_9(%arg0: i32) -> (i32, i32) {
    %c0_i32 = arith.constant 0 : i32
    %c0_i32_0 = arith.constant 0 : i32
    %c0_i32_1 = arith.constant 0 : i32
    return %c0_i32, %c0_i32_0 : i32, i32
  }
  func.func @transform_10(%arg0: i32) -> (i32, i32) {
    %c0_i32 = arith.constant 0 : i32
    %c0_i32_0 = arith.constant 0 : i32
    %c0_i32_1 = arith.constant 0 : i32
    return %c0_i32, %c0_i32_0 : i32, i32
  }
  func.func @transform_11(%arg0: i32) -> (i32, i32) {
    %c0_i32 = arith.constant 0 : i32
    %c0_i32_0 = arith.constant 0 : i32
    %c0_i32_1 = arith.constant 0 : i32
    return %c0_i32, %c0_i32_0 : i32, i32
  }
  func.func @transform_12(%arg0: i32) -> (i32, i32) {
    %c0_i32 = arith.constant 0 : i32
    %c0_i32_0 = arith.constant 0 : i32
    %c0_i32_1 = arith.constant 0 : i32
    return %c0_i32, %c0_i32_0 : i32, i32
  }
  func.func @transform_13(%arg0: i32) -> (i32, i32) {
    %c0_i32 = arith.constant 0 : i32
    %c0_i32_0 = arith.constant 0 : i32
    %c0_i32_1 = arith.constant 0 : i32
    return %c0_i32, %c0_i32_0 : i32, i32
  }
  func.func @transform_14(%arg0: i32) -> (i32, i32) {
    %c0_i32 = arith.constant 0 : i32
    %c0_i32_0 = arith.constant 0 : i32
    %c0_i32_1 = arith.constant 0 : i32
    return %c0_i32, %c0_i32_0 : i32, i32
  }
  func.func @transform_15(%arg0: i32) -> (i32, i32) {
    %c0_i32 = arith.constant 0 : i32
    %c0_i32_0 = arith.constant 0 : i32
    %c0_i32_1 = arith.constant 0 : i32
    return %c0_i32, %c0_i32_0 : i32, i32
  }
  func.func @transform_16(%arg0: i32) -> (i32, i32) {
    %c0_i32 = arith.constant 0 : i32
    %c0_i32_0 = arith.constant 0 : i32
    %c0_i32_1 = arith.constant 0 : i32
    return %c0_i32, %c0_i32_0 : i32, i32
  }
}

module attributes {stable_mosaic.version = 14 : i64} {
  func.func @_group_kernel(%arg0: i32, %arg1: memref<80xi32, #tpu.memory_space<smem>>, %arg2: memref<128x768xf32, #tpu.memory_space<vmem>>, %arg3: memref<1x768x768xf32, #tpu.memory_space<vmem>>, %arg4: memref<1x1x768xf32, #tpu.memory_space<vmem>>, %arg5: memref<128x768xf32, #tpu.memory_space<vmem>>) attributes {dimension_semantics = [#tpu.dimension_semantics<arbitrary>], iteration_bounds = array<i64: 80>, scalar_prefetch = 1 : i64, scratch_operands = 0 : i64, tpu.core_type = #tpu.core_type<tc>, window_params = [{transform_indices = @transform_0, window_bounds = array<i64: 128, 768>}, {transform_indices = @transform_1, window_bounds = array<i64: 1, 768, 768>}, {transform_indices = @transform_2, window_bounds = array<i64: 1, 1, 768>}, {transform_indices = @transform_3, window_bounds = array<i64: 128, 768>}]} {
    %get3A = arith.index_cast %arg0 : i32 to index
    %get3A_0 = memref.load %arg1[%get3A] : memref<80xi32, #tpu.memory_space<smem>>
    %lt3A = arith.constant 64 : i32
    %lt3A_1 = arith.cmpi slt, %get3A_0, %lt3A : i32
    %convert_element_type3A = arith.extui %lt3A_1 : i1 to i32
    %cond3A = arith.constant 0 : i32
    %cond3A_2 = arith.cmpi ne, %convert_element_type3A, %cond3A : i32
    scf.if %cond3A_2 {
      %get3A_3 = arith.constant 0 : index
      %get3A_4 = arith.constant 0 : index
      %get3A_5 = vector.load %arg2[%get3A_3, %get3A_4] : memref<128x768xf32, #tpu.memory_space<vmem>>, vector<128x768xf32>
      %get3A_6 = arith.constant 0 : index
      %get3A_7 = arith.constant 0 : index
      %get3A_8 = arith.constant 0 : index
      %get3A_9 = vector.load %arg3[%get3A_6, %get3A_7, %get3A_8] : memref<1x768x768xf32, #tpu.memory_space<vmem>>, vector<1x768x768xf32>
      %get3A_10 = vector.shape_cast %get3A_9 : vector<1x768x768xf32> to vector<768x768xf32>
      %dot_general3A = arith.constant dense<0.000000e+00> : vector<128x768xf32>
      %dot_general3A_11 = tpu.matmul %get3A_5, %get3A_10, %dot_general3A {dimension_numbers = #tpu.dot_dimension_numbers<[1], [1], [0], [0], [0, 0, 1, 0], [], []>, transpose_lhs_hint = false} : vector<128x768xf32>, vector<768x768xf32>, vector<128x768xf32> -> vector<128x768xf32>
      %get3A_12 = arith.constant 0 : index
      %get3A_13 = arith.constant 0 : index
      %get3A_14 = arith.constant 0 : index
      %get3A_15 = vector.load %arg4[%get3A_12, %get3A_13, %get3A_14] : memref<1x1x768xf32, #tpu.memory_space<vmem>>, vector<1x1x768xf32>
      %get3A_16 = vector.shape_cast %get3A_15 : vector<1x1x768xf32> to vector<1x768xf32>
      %add3A = vector.broadcast %get3A_16 : vector<1x768xf32> to vector<128x768xf32>
      %add3A_17 = arith.addf %dot_general3A_11, %add3A : vector<128x768xf32>
      %swap3A = arith.constant 0 : index
      %swap3A_18 = arith.constant 0 : index
      %swap3A_19 = vector.load %arg5[%swap3A, %swap3A_18] : memref<128x768xf32, #tpu.memory_space<vmem>>, vector<128x768xf32>
      tpu.vector_store %arg5[%swap3A, %swap3A_18], %add3A_17 {strides = array<i32>} : memref<128x768xf32, #tpu.memory_space<vmem>>, vector<128x768xf32>,
    } else {
    }
    return
  }
  func.func @transform_0(%arg0: i32, %arg1: memref<80xi32, #tpu.memory_space<smem>>) -> (i32, i32) {
    %c0_i32 = arith.constant 0 : i32
    %c0_i32_0 = arith.constant 0 : i32
    return %arg0, %c0_i32 : i32, i32
  }
  func.func @transform_1(%arg0: i32, %arg1: memref<80xi32, #tpu.memory_space<smem>>) -> (i32, i32, i32) {
    %get3A = arith.index_cast %arg0 : i32 to index
    %get3A_0 = memref.load %arg1[%get3A] : memref<80xi32, #tpu.memory_space<smem>>
    %min3A = arith.constant 63 : i32
    %min3A_1 = arith.minsi %get3A_0, %min3A : i32
    %c0_i32 = arith.constant 0 : i32
    %c0_i32_2 = arith.constant 0 : i32
    %c0_i32_3 = arith.constant 0 : i32
    return %min3A_1, %c0_i32, %c0_i32_2 : i32, i32, i32
  }
  func.func @transform_2(%arg0: i32, %arg1: memref<80xi32, #tpu.memory_space<smem>>) -> (i32, i32, i32) {
    %get3A = arith.index_cast %arg0 : i32 to index
    %get3A_0 = memref.load %arg1[%get3A] : memref<80xi32, #tpu.memory_space<smem>>
    %min3A = arith.constant 63 : i32
    %min3A_1 = arith.minsi %get3A_0, %min3A : i32
    %c0_i32 = arith.constant 0 : i32
    %c0_i32_2 = arith.constant 0 : i32
    %c0_i32_3 = arith.constant 0 : i32
    return %min3A_1, %c0_i32, %c0_i32_2 : i32, i32, i32
  }
  func.func @transform_3(%arg0: i32, %arg1: memref<80xi32, #tpu.memory_space<smem>>) -> (i32, i32) {
    %c0_i32 = arith.constant 0 : i32
    %c0_i32_0 = arith.constant 0 : i32
    return %arg0, %c0_i32 : i32, i32
  }
}

module attributes {stable_mosaic.version = 14 : i64} {
  func.func @_ln2_kernel(%arg0: memref<2048x768xf32, #tpu.memory_space<vmem>>, %arg1: memref<2048x1xf32, #tpu.memory_space<vmem>>, %arg2: memref<2048x768xf32, #tpu.memory_space<vmem>>, %arg3: memref<1x768xf32, #tpu.memory_space<vmem>>, %arg4: memref<1x768xf32, #tpu.memory_space<vmem>>, %arg5: memref<2048x768xf32, #tpu.memory_space<vmem>>) attributes {dimension_semantics = [], scalar_prefetch = 0 : i64, scratch_operands = 0 : i64, tpu.core_type = #tpu.core_type<tc>} {
    %get3A = arith.constant 0 : index
    %get3A_0 = arith.constant 0 : index
    %get3A_1 = vector.load %arg0[%get3A, %get3A_0] : memref<2048x768xf32, #tpu.memory_space<vmem>>, vector<2048x768xf32>
    %get3A_2 = arith.constant 0 : index
    %get3A_3 = arith.constant 0 : index
    %get3A_4 = vector.load %arg1[%get3A_2, %get3A_3] : memref<2048x1xf32, #tpu.memory_space<vmem>>, vector<2048x1xf32>
    %get3A_5 = arith.constant 0 : index
    %get3A_6 = arith.constant 0 : index
    %get3A_7 = vector.load %arg2[%get3A_5, %get3A_6] : memref<2048x768xf32, #tpu.memory_space<vmem>>, vector<2048x768xf32>
    %mul3A = vector.broadcast %get3A_4 : vector<2048x1xf32> to vector<2048x768xf32>
    %mul3A_8 = arith.mulf %mul3A, %get3A_7 : vector<2048x768xf32>
    %add3A = arith.addf %get3A_1, %mul3A_8 : vector<2048x768xf32>
    %reduce_sum3A = arith.constant dense<0.000000e+00> : vector<2048xf32>
    %reduce_sum3A_9 = vector.multi_reduction <add>, %add3A, %reduce_sum3A [1] : vector<2048x768xf32> to vector<2048xf32>
    %broadcast_in_dim3A = vector.shape_cast %reduce_sum3A_9 : vector<2048xf32> to vector<2048x1xf32>
    %mul3A_10 = arith.constant 0.00130208337 : f32
    %mul3A_11 = vector.broadcast %mul3A_10 : f32 to vector<2048x1xf32>
    %mul3A_12 = arith.mulf %broadcast_in_dim3A, %mul3A_11 : vector<2048x1xf32>
    %sub3A = vector.broadcast %mul3A_12 : vector<2048x1xf32> to vector<2048x768xf32>
    %sub3A_13 = arith.subf %add3A, %sub3A : vector<2048x768xf32>
    %integer_pow3A = arith.mulf %sub3A_13, %sub3A_13 : vector<2048x768xf32>
    %reduce_sum3A_14 = arith.constant dense<0.000000e+00> : vector<2048xf32>
    %reduce_sum3A_15 = vector.multi_reduction <add>, %integer_pow3A, %reduce_sum3A_14 [1] : vector<2048x768xf32> to vector<2048xf32>
    %broadcast_in_dim3A_16 = vector.shape_cast %reduce_sum3A_15 : vector<2048xf32> to vector<2048x1xf32>
    %mul3A_17 = arith.constant 0.00130208337 : f32
    %mul3A_18 = vector.broadcast %mul3A_17 : f32 to vector<2048x1xf32>
    %mul3A_19 = arith.mulf %broadcast_in_dim3A_16, %mul3A_18 : vector<2048x1xf32>
    %sub3A_20 = vector.broadcast %mul3A_12 : vector<2048x1xf32> to vector<2048x768xf32>
    %sub3A_21 = arith.subf %add3A, %sub3A_20 : vector<2048x768xf32>
    %add3A_22 = arith.constant 9.99999974E-6 : f32
    %add3A_23 = vector.broadcast %add3A_22 : f32 to vector<2048x1xf32>
    %add3A_24 = arith.addf %mul3A_19, %add3A_23 : vector<2048x1xf32>
    %sqrt3A = math.sqrt %add3A_24 : vector<2048x1xf32>
    %div3A = vector.broadcast %sqrt3A : vector<2048x1xf32> to vector<2048x768xf32>
    %div3A_25 = arith.divf %sub3A_21, %div3A : vector<2048x768xf32>
    %get3A_26 = arith.constant 0 : index
    %get3A_27 = arith.constant 0 : index
    %get3A_28 = vector.load %arg3[%get3A_26, %get3A_27] : memref<1x768xf32, #tpu.memory_space<vmem>>, vector<1x768xf32>
    %mul3A_29 = vector.broadcast %get3A_28 : vector<1x768xf32> to vector<2048x768xf32>
    %mul3A_30 = arith.mulf %div3A_25, %mul3A_29 : vector<2048x768xf32>
    %get3A_31 = arith.constant 0 : index
    %get3A_32 = arith.constant 0 : index
    %get3A_33 = vector.load %arg4[%get3A_31, %get3A_32] : memref<1x768xf32, #tpu.memory_space<vmem>>, vector<1x768xf32>
    %add3A_34 = vector.broadcast %get3A_33 : vector<1x768xf32> to vector<2048x768xf32>
    %add3A_35 = arith.addf %mul3A_30, %add3A_34 : vector<2048x768xf32>
    %swap3A = arith.constant 0 : index
    %swap3A_36 = arith.constant 0 : index
    %swap3A_37 = vector.load %arg5[%swap3A, %swap3A_36] : memref<2048x768xf32, #tpu.memory_space<vmem>>, vector<2048x768xf32>
    tpu.vector_store %arg5[%swap3A, %swap3A_36], %add3A_35 {strides = array<i32>} : memref<2048x768xf32, #tpu.memory_space<vmem>>, vector<2048x768xf32>,
    return
  }
}

</mosaic_0001>

<sc_bundles>
// kernel: kernel.10.cloned.1.call-start
scs
__scs_entry_jumppad:
0x0: {  	(pc) =	sbr.rel $0x88, $3  }
0x1: {  	(tag) =	ssettag $0x0;
	lr =	simm.s32 $0x1  }
0x2: {  	[smem:$0x3F94] =	sst lr;
	_ =	strace $0xD0000000  }
0x3: {  	_ = 	snop  }
0x4: {  	_ = 	snop  }
0x5: {  	_ = 	snop  }
0x6: {  	_ = 	snop  }
0x7: {  	_ = 	snop  }
__scs_overlays_trampoline_lowered:
0x8: {  	[smem:$0x3FA3] =	sst s0  }
0x9: {  	[smem:$0x3FA4] =	sst s1  }
0xa: {  	[smem:$0x3FA5] =	sst s2  }
0xb: {  	[smem:$0x3FA6] =	sst s3  }
0xc: {  	[smem:$0x3FA7] =	sst s4  }
0xd: {  	[smem:$0x3FA8] =	sst s5  }
0xe: {  	[smem:$0x3FA9] =	sst s6  }
0xf: {  	[smem:$0x3FAA] =	sst s7  }
0x10: {  	[smem:$0x3FAB] =	sst s8  }
0x11: {  	[smem:$0x3FAC] =	sst s9;
	s0 =	simm.s32 @!p0 $0x0  }
0x12: {  	s1 =	sld [smem:$0x3F92];
	s0 =	simm.s32 @p0 $0x1  }
0x13: {  	[smem:$0x3FAD] =	sst s0;
	s0 =	simm.s32 @!p1 $0x0  }
0x14: {  	s2 =	sld [smem:$0x3F91];
	s0 =	simm.s32 @p1 $0x1  }
0x15: {  	[smem:$0x3FAE] =	sst s0;
	s0 =	simm.s32 @!p2 $0x0  }
0x16: {  	s3 =	sld [smem:$0x3FDB];
	s0 =	simm.s32 @p2 $0x1  }
0x17: {  	s4 =	simm.s32 $0x1BF5;
	[smem:$0x3FB0] =	sst s0  }
0x18: {  	s0 =	sld [smem:$0x3F93];
	_ =	swait.ge [sflag:s4], $0x0  }
0x19: {  	s7 =	sld [smem:$0x3F94]  }
0x1a: {  	s8 =	sadd.s32 $0xFFFFE003, lr  }
0x1b: {  	s9 =	sadd.s32 $0xFFFFFEF7, lr;
	s5 =	simm.s32 $0xFFFFFFFF;
	p2 =	slt.u32 s8, $0xFFFFF086  }
0x1c: {  	p1 =	slt.u32 s9, $0xF7A;
	s5 =	simm.s32 @!p2 $0x0  }
0x1d: {  	s5 =	simm.s32 @p1 $0x1;
	p0 =	seq.s32 s7, s2  }
0x1e: {  	s7 =	smul.u32 @!p0 $0xF7A, s2;
	p2 =	seq.s32 @!p0 s5, $0x0  }
0x1f: {  	s9 =	smul.u32 $0xF7A, s1;
	s8 =	simm.s32 @!p0 $0x1BF5;
	p2 =	por !p2, p0  }
0x20: {  	[sflag:s8] =	ssyncset.s32 @!p0 $0xFFFFF086;
	s6 =	sadd.s32 @!p0 s3, s7;
	s7 =	simm.s32 @!p0 $0x108  }
0x21: {  	s3 =	sadd.s32 s3, s9;
	s6 =	sadd.s32 @!p0 $0x88, s6;
	s7 =	simm.s32 @p2 $0x1082  }
0x22: {  	[simem:s7], [sflag:s8] =	dma.local @!p0 [hbm:s6], $0xF7A  }
0x23: {  	s9 =	sor.u32 $0xD0000000, s2;
	s6 =	simm.s32 $0x108;
	_ =	swait.ge @!p0 [sflag:s8], $0x0  }
0x24: {  	s3 =	sadd.s32 $0x88, s3;
	s6 =	simm.s32 @!p1 $0x1082;
	[sflag:s4] =	ssyncset.s32 $0xFFFFF086  }
0x25: {  	[simem:s6], [sflag:s4] =	dma.local [hbm:s3], $0xF7A  }
0x26: {  	[smem:$0x3F94] =	sst s1;
	(tag) =	ssettag s2;
	_ =	strace s9  }
0x27: {  	s1 =	sld [smem:$0x3FA4]  }
0x28: {  	s2 =	sld [smem:$0x3FA5]  }
0x29: {  	s4 =	sld [smem:$0x3FA7]  }
0x2a: {  	p0 =	seq.s32 s5, $0x0;
	s5 =	sld [smem:$0x3FA8]  }
0x2b: {  	s6 =	sld [smem:$0x3FA9]  }
0x2c: {  	s7 =	sld [smem:$0x3FAA]  }
0x2d: {  	s3 =	simm.s32 $0x108;
	s8 =	sld [smem:$0x3FAB]  }
0x2e: {  	s3 =	simm.s32 @!p0 $0x1082;
	s9 =	sld [smem:$0x3FAC]  }
0x2f: {  	lr =	sadd.s32 s0, s3;
	s0 =	sld [smem:$0x3FA3]  }
0x30: {  	s3 =	sld [smem:$0x3FA6]  }
0x31: {  	[smem:$0x3FAF] =	sst s10  }
0x32: {  	s10 =	sld [smem:$0x3FAD];
	_ =	sdelay $0x3  }
0x33: {  	p0 =	seq.s32 s10, $0x1;
	s10 =	sld [smem:$0x3FAF];
	_ =	sdelay $0x3  }
0x34: {  	[smem:$0x3FAF] =	sst s10  }
0x35: {  	s10 =	sld [smem:$0x3FAE];
	_ =	sdelay $0x3  }
0x36: {  	p1 =	seq.s32 s10, $0x1;
	s10 =	sld [smem:$0x3FAF];
	_ =	sdelay $0x3  }
0x37: {  	[smem:$0x3FAF] =	sst s10  }
0x38: {  	s10 =	sld [smem:$0x3FB0]  }
0x39: {  	_ = 	snop;
	(pc) =	sbr.ind lr, $3  }
0x3a: {  	_ = 	snop  }
0x3b: {  	_ = 	snop  }
0x3c: {  	p2 =	seq.s32 s10, $0x1;
	s10 =	sld [smem:$0x3FAF]  }
0x3d: {  	_ =	shalt  }
0x3e: {  	_ =	shalt  }
0x3f: {  	_ =	shalt  }
0x40: {  	_ =	shalt  }
0x41: {  	_ =	shalt  }
0x42: {  	_ =	shalt  }
0x43: {  	_ =	shalt  }
0x44: {  	_ =	shalt  }
0x45: {  	_ =	shalt  }
0x46: {  	_ =	shalt  }
0x47: {  	_ =	shalt  }
0x48: {  	_ =	shalt  }
0x49: {  	_ =	shalt  }
0x4a: {  	_ =	shalt  }
0x4b: {  	_ =	shalt  }
0x4c: {  	_ =	shalt  }
0x4d: {  	_ =	shalt  }
0x4e: {  	_ =	shalt  }
0x4f: {  	_ =	shalt  }
0x50: {  	_ =	shalt  }
0x51: {  	_ =	shalt  }
0x52: {  	_ =	shalt  }
0x53: {  	_ =	shalt  }
0x54: {  	_ =	shalt  }
0x55: {  	_ =	shalt  }
0x56: {  	_ =	shalt  }
0x57: {  	_ =	shalt  }
0x58: {  	_ =	shalt  }
0x59: {  	_ =	shalt  }
0x5a: {  	_ =	shalt  }
0x5b: {  	_ =	shalt  }
0x5c: {  	_ =	shalt  }
0x5d: {  	_ =	shalt  }
0x5e: {  	_ =	shalt  }
0x5f: {  	_ =	shalt  }
0x60: {  	_ =	shalt  }
0x61: {  	_ =	shalt  }
0x62: {  	_ =	shalt  }
0x63: {  	_ =	shalt  }
0x64: {  	_ =	shalt  }
0x65: {  	_ =	shalt  }
0x66: {  	_ =	shalt  }
0x67: {  	_ =	shalt  }
0x68: {  	_ =	shalt  }
0x69: {  	_ =	shalt  }
0x6a: {  	_ =	shalt  }
0x6b: {  	_ =	shalt  }
0x6c: {  	_ =	shalt  }
0x6d: {  	_ =	shalt  }
0x6e: {  	_ =	shalt  }
0x6f: {  	_ =	shalt  }
0x70: {  	_ =	shalt  }
0x71: {  	_ =	shalt  }
0x72: {  	_ =	shalt  }
0x73: {  	_ =	shalt  }
0x74: {  	_ =	shalt  }
0x75: {  	_ =	shalt  }
0x76: {  	_ =	shalt  }
0x77: {  	_ =	shalt  }
0x78: {  	_ =	shalt  }
0x79: {  	_ =	shalt  }
0x7a: {  	_ =	shalt  }
0x7b: {  	_ =	shalt  }
0x7c: {  	_ =	shalt  }
0x7d: {  	_ =	shalt  }
0x7e: {  	_ =	shalt  }
0x7f: {  	_ =	shalt  }
0x80: {  	_ =	shalt  }
0x81: {  	_ =	shalt  }
0x82: {  	_ =	shalt  }
0x83: {  	_ =	shalt  }
0x84: {  	_ =	shalt  }
0x85: {  	_ =	shalt  }
0x86: {  	_ =	shalt  }
0x87: {  	_ =	shalt  }
.Lfunc_end0:
.L_simem_size_0:
called_computation.1_lowered:
.L_overlay_start_0:
0x88: {  	s2 =	sld [smem:$0x3FD9]  }
0x89: {  	s3 =	sld [smem:$0x3FFE];
	_ =	sdelay $0x1  }
0x8a: {  	s1 =	srdreg.scid  }
0x8b: {  	s0 =	sand.u32 $0x1, s1  }
0x8c: {  	s16 =	sshll.u32 s0, $0xA;
	s2 =	sadd.s32 s3, s2  }
0x8d: {  	s2 =	sadd.s32 s2, s16  }
0x8e: {  	[smem:$0x3FBB] =	sst s2  }
0x8f: {  	_ = 	snop  }
0x90: {  	(tm) =	ssettm $0x1  }
0x91: {  	s17 =	sld [smem:$0x3FFB];
	_ =	sdelay $0x3  }
0x92: {  	_ =	strace s17  }
0x93: {  	s2 =	sld [smem:$0x3FFC];
	_ =	sdelay $0x3  }
0x94: {  	_ =	strace s2  }
0x95: {  	s2 =	sld [smem:$0x3FFD];
	_ =	sdelay $0x3  }
0x96: {  	_ =	strace s2  }
0x97: {  	_ =	strace $0x8FFFFFFF  }
0x98: {  	s18 =	sld [smem:$0x3FDB];
	_ =	sdelay $0x1  }
0x99: {  	s19 =	simm.s32 $_scs_section_size  }
0x9a: {  	s4 =	simm.s32 $_size__tile_overlayer_lowered;
	s5 =	simm.s32 $_tile_overlayer_lowered  }
0x9b: {  	s22 =	simm.s32 $0x1BFF;
	s21 =	sshll.u32 s5, $0x1;
	s2 =	sadd.s32 s19, s18  }
0x9c: {  	s6 =	simm.s32 $0x0;
	s20 =	sshll.u32 s4, $0x1;
	s4 =	sadd.s32 s21, s2  }
0x9d: {  	[timem:s6], [sflag:s22] =	dma.local [hbm:s4], s20  }
0x9e: {  	_ =	swait.ge [sflag:s22], s20  }
0x9f: {  	s3 =	ssub.s32 $0x0, s20;
	[sflag:s22] =	ssyncset.done $0x0  }
0xa0: {  	[sflag:s22] =	ssyncadd.s32 s3;
	_ =	sdelay $0x1  }
0xa1: {  	s23 =	simm.s32 $0x1B8B  }
0xa2: {  	_ =	swait.ge [sflag:s23], $0x1  }
0xa3: {  	[sflag:s23] =	ssyncset.done $0x0  }
0xa4: {  	s25 =	simm.s32 $0x1B8E;
	s24 =	sld [smem:$0x3FFE];
	[sflag:s23] =	ssyncadd.s32 $0xFFFFFFFF  }
0xa5: {  	s26 =	simm.s32 $execute0_lowered;
	[smem:$0x3FD2] =	sst s25  }
0xa6: {  	s4 =	sshll.u32 s26, $0x1;
	_ =	strace $0x80000049;
	[dreg:$0x1] =	wrdreg $0xFFFFFFFF  }
0xa7: {  	s28 =	simm.s32 $_size_execute0_lowered;
	s2 =	sadd.s32 s2, s4;
	[dreg:$0x0] =	wrdreg $0x0  }
0xa8: {  	s4 =	sshll.u32 s28, $0x1;
	[dreg:$0x2] =	wrdreg s2  }
0xa9: {  	[dreg:$0x3] =	wrdreg s4  }
0xaa: {  	[dreg:$0x4] =	wrdreg $0xC0  }
0xab: {  	_ =	task [dreg:s6], $0x5FFFF  }
0xac: {  	[dreg:$0x1] =	wrdreg $0xFFFFFFFF  }
0xad: {  	[dreg:$0x0] =	wrdreg $0x60  }
0xae: {  	[dreg:$0x2] =	wrdreg s24  }
0xaf: {  	[dreg:$0x3] =	wrdreg $0x9  }
0xb0: {  	_ =	task.clear_ibuf [dreg:s6], $0x4FFFF;
	_ =	strace $0x90000049  }
0xb1: {  	s29 =	simm.s32 $0x9;
	_ =	strace $0x8000004B  }
0xb2: {  	_ =	swait.ge [sflag:s29], $0x1  }
0xb3: {  	[sflag:s29] =	ssyncadd.s32 $0xFFFFFFFF  }
0xb4: {  	_ =	strace $0x9000004B  }
0xb5: {  	_ =	sfence  }
0xb6: {  	s30 =	sld [smem:$0x0];
	_ =	sdelay $0x2  }
0xb7: {  	s31 =	sshll.u32 s1, $0xD;
	s1 =	sshrl.u32 s1, $0x2  }
0xb8: {  	s3 =	sand.u32 $0x4000, s31;
	s1 =	sadd.s32 s1, s30  }
0xb9: {  	s0 =	sor.u32 s3, s0;
	s1 =	sshll.u32 s1, $0x11  }
0xba: {  	s0 =	sor.u32 s1, s0  }
0xbb: {  	s0 =	sadd.s32 $0x8F2B, s0  }
0xbc: {  	[sflag:s0] =	ssyncadd.remote.s32 $0x1  }
0xbd: {  	_ =	sfence.sel $0xFFFF  }
0xbe: {  	[dreg:$0x0] =	wrdreg $0xFFFFFFFF;
	(pc) =	sbr.abs _section_cstart, $3  }
0xbf: {  	[dreg:$0x1] =	wrdreg $0xFFFFFFFF  }
0xc0: {  	_ =	task.clear_ibuf [dreg:s6], $0x2FFFF;
	_ =	strace $0x9FFFFFFF  }
0xc1: {  	(tm) =	ssettm $0x7FFFFFFF  }
tec
execute0_lowered:
.L_overlay_start_1:
0x0: {  	(tag) =	ssettag $0x1  }
0x1: {  	s0 =	rddreg [dreg:$0x0]  }
0x2: {  	s2 =	srdreg.scid;
	s1 =	stileid.u32  }
0x3: {  	s8 =	simm.s32 $0x80;
	s26 =	simm.s32 $0x880;
	s9 =	simm.s32 $0x1080  }
0x4: {  	s10 =	simm.s32 $0x1880;
	s11 =	simm.s32 $0x2080;
	s12 =	simm.s32 $0x2880  }
0x5: {  	s13 =	simm.s32 $0x3080;
	s14 =	simm.s32 $0x3880;
	s15 =	simm.s32 $0x4080  }
0x6: {  	s16 =	simm.s32 $0x4880;
	s17 =	simm.s32 $0x5080;
	s18 =	simm.s32 $0x5880  }
0x7: {  	s19 =	simm.s32 $0x6080;
	s20 =	simm.s32 $0x6880;
	s21 =	simm.s32 $0x7080  }
0x8: {  	s22 =	simm.s32 $0x7880;
	s23 =	simm.s32 $0x8080;
	s24 =	simm.s32 $0x8880  }
0x9: {  	s28 =	simm.s32 $0xA080;
	s29 =	simm.s32 $0xA880;
	s30 =	simm.s32 $0xB080  }
0xa: {  	s31 =	simm.s32 $0xB880;
	s3 =	sand.u32 $0x1, s2;
	s2 =	simm.s32 $0x0  }
0xb: {  	s4 =	sshll.u32 s1, $0x4;
	s5 =	sshll.u32 s3, $0x3;
	[smem:$0x7FF] =	sst s2  }
0xc: {  	s6 =	ssub.s32 $0x2, s3;
	s3 =	sadd.s32 $0xF2800, s0;
	s4 =	sor.u32 s5, s4  }
0xd: {  	_ =	strace $0x8000004A;
	s7 =	sshrl.u32 s6, $0x1;
	[dreg:$0x4] =	wrdreg s26  }
0xe: {  	s26 =	simm.s32 $0x9880;
	s5 =	smul.u32 $0x300, s4;
	s4 =	sadd.s32 s4, s0  }
0xf: {  	s6 =	ssub.s32 s6, s7;
	s7 =	simm.s32 $0x2;
	s4 =	sadd.s32 $0x2600, s4  }
0x10: {  	v2 =	vlaneseq.u32;
	s6 =	smax.u32 s6, $0x1;
	s5 =	sadd.s32 s5, s0;
	[dreg:$0x2] =	wrdreg s4  }
0x11: {  	vm0 =	vmmov $0xffff;
	v1 =	vshrl.u32 v2, $0x3;
	s4 =	sadd.s32 $0xF2900, s0;
	s25 =	sadd.s32 $0x2800, s5;
	s5 =	sadd.s32 $0xF2A00, s0  }
0x12: {  	v0 =	vand.u32 $0x7, v2;
	v2 =	vor.u32 $0x8, v2;
	v1 =	vmul.u32 $0x8, v1;
	s0 =	simm.s32 $0x1;
	[dreg:$0x3] =	wrdreg s25;
	s25 =	simm.s32 $0x9080  }
.LBB2_1:
0x13: {  	s1 =	rddreg [dreg:$0x2]  }
0x14: {  	[tilespmem:s2], [sflag:$0x2] =	stream.linear.gather [hbm4b:s1+s2], $0x40, $0x38;
	[tilespmem:$0xC080] =	vst v63  }
0x15: {  	_ =	swait.ge [sflag:s7], $0x40  }
0x16: {  	[sflag:s7] =	ssyncset.done $0x0  }
0x17: {  	[sflag:s7] =	ssyncadd.s32 $0xFFFFFFC0  }
0x18: {  	v3 =	vld [tilespmem:$0x0];
	_ =	sdelay $0x4  }
0x19: {  	v4 =	vshrl.u32 v3, $0x3  }
0x1a: {  	v4 =	vmul.u32 $0x30, v4  }
0x1b: {  	v3 =	vand.u32 $0x7, v3  }
0x1c: {  	v3 =	vor.u32 v3, v4  }
0x1d: {  	v4 =	vperm.xlane v3, v0;
	_ =	sdelay $0x1  }
0x1e: {  	v4 =	vadd.s32 v1, v4;
	_ =	sdelay $0x3  }
0x1f: {  	v3 =	vperm.xlane v3, v2  }
0x20: {  	[tilespmem:s8], [sflag:$0x1] =	stream.indirect_vreg.gather [hbm4b:s3+s2], $0x80, v4, vm0, $0xb8;
	[tilespmem:$0xC080] =	vst v63  }
0x21: {  	s1 =	rddreg [dreg:$0x4];
	v3 =	vadd.s32 v1, v3  }
0x22: {  	[tilespmem:s1], [sflag:$0x1] =	stream.indirect_vreg.gather [hbm4b:s4+s2], $0x80, v4, vm0, $0xb8;
	[tilespmem:$0xC080] =	vst v63  }
0x23: {  	_ = 	snop  }
0x24: {  	[tilespmem:s9], [sflag:$0x1] =	stream.indirect_vreg.gather [hbm4b:s5+s2], $0x80, v4, vm0, $0xb8;
	[tilespmem:$0xC080] =	vst v63  }
0x25: {  	_ = 	snop  }
0x26: {  	[tilespmem:s10], [sflag:$0x1] =	stream.indirect_vreg.gather [hbm4b:s3+s2], $0x80, v3, vm0, $0xb8;
	[tilespmem:$0xC080] =	vst v63  }
0x27: {  	_ = 	snop  }
0x28: {  	[tilespmem:s11], [sflag:$0x1] =	stream.indirect_vreg.gather [hbm4b:s4+s2], $0x80, v3, vm0, $0xb8;
	[tilespmem:$0xC080] =	vst v63  }
0x29: {  	_ = 	snop  }
0x2a: {  	[tilespmem:s12], [sflag:$0x1] =	stream.indirect_vreg.gather [hbm4b:s5+s2], $0x80, v3, vm0, $0xb8;
	[tilespmem:$0xC080] =	vst v63  }
0x2b: {  	v3 =	vld [tilespmem:$0x10];
	_ =	sdelay $0x4  }
0x2c: {  	v61 =	vshrl.u32 v3, $0x3  }
0x2d: {  	v4 =	vmul.u32 $0x30, v61  }
0x2e: {  	v3 =	vand.u32 $0x7, v3  }
0x2f: {  	v3 =	vor.u32 v3, v4  }
0x30: {  	v4 =	vperm.xlane v3, v0;
	_ =	sdelay $0x1  }
0x31: {  	v4 =	vadd.s32 v1, v4;
	_ =	sdelay $0x3  }
0x32: {  	v3 =	vperm.xlane v3, v2  }
0x33: {  	[tilespmem:s13], [sflag:$0x1] =	stream.indirect_vreg.gather [hbm4b:s3+s2], $0x80, v4, vm0, $0xb8;
	[tilespmem:$0xC080] =	vst v63  }
0x34: {  	v3 =	vadd.s32 v1, v3  }
0x35: {  	[tilespmem:s14], [sflag:$0x1] =	stream.indirect_vreg.gather [hbm4b:s4+s2], $0x80, v4, vm0, $0xb8;
	[tilespmem:$0xC080] =	vst v63  }
0x36: {  	_ = 	snop  }
0x37: {  	[tilespmem:s15], [sflag:$0x1] =	stream.indirect_vreg.gather [hbm4b:s5+s2], $0x80, v4, vm0, $0xb8;
	[tilespmem:$0xC080] =	vst v63  }
0x38: {  	_ = 	snop  }
0x39: {  	[tilespmem:s16], [sflag:$0x1] =	stream.indirect_vreg.gather [hbm4b:s3+s2], $0x80, v3, vm0, $0xb8;
	[tilespmem:$0xC080] =	vst v63  }
0x3a: {  	_ = 	snop  }
0x3b: {  	[tilespmem:s17], [sflag:$0x1] =	stream.indirect_vreg.gather [hbm4b:s4+s2], $0x80, v3, vm0, $0xb8;
	[tilespmem:$0xC080] =	vst v63  }
0x3c: {  	_ = 	snop  }
0x3d: {  	[tilespmem:s18], [sflag:$0x1] =	stream.indirect_vreg.gather [hbm4b:s5+s2], $0x80, v3, vm0, $0xb8;
	[tilespmem:$0xC080] =	vst v63  }
0x3e: {  	v3 =	vld [tilespmem:$0x20];
	_ =	sdelay $0x4  }
0x3f: {  	v62 =	vshrl.u32 v3, $0x3  }
0x40: {  	v4 =	vmul.u32 $0x30, v62  }
0x41: {  	v3 =	vand.u32 $0x7, v3  }
0x42: {  	v3 =	vor.u32 v3, v4  }
0x43: {  	v4 =	vperm.xlane v3, v0;
	_ =	sdelay $0x1  }
0x44: {  	v4 =	vadd.s32 v1, v4;
	_ =	sdelay $0x3  }
0x45: {  	v3 =	vperm.xlane v3, v2  }
0x46: {  	[tilespmem:s19], [sflag:$0x1] =	stream.indirect_vreg.gather [hbm4b:s3+s2], $0x80, v4, vm0, $0xb8;
	[tilespmem:$0xC080] =	vst v63  }
0x47: {  	v3 =	vadd.s32 v1, v3  }
0x48: {  	[tilespmem:s20], [sflag:$0x1] =	stream.indirect_vreg.gather [hbm4b:s4+s2], $0x80, v4, vm0, $0xb8;
	[tilespmem:$0xC080] =	vst v63  }
0x49: {  	_ = 	snop  }
0x4a: {  	[tilespmem:s21], [sflag:$0x1] =	stream.indirect_vreg.gather [hbm4b:s5+s2], $0x80, v4, vm0, $0xb8;
	[tilespmem:$0xC080] =	vst v63  }
0x4b: {  	_ = 	snop  }
0x4c: {  	[tilespmem:s22], [sflag:$0x1] =	stream.indirect_vreg.gather [hbm4b:s3+s2], $0x80, v3, vm0, $0xb8;
	[tilespmem:$0xC080] =	vst v63  }
0x4d: {  	_ = 	snop  }
0x4e: {  	[tilespmem:s23], [sflag:$0x1] =	stream.indirect_vreg.gather [hbm4b:s4+s2], $0x80, v3, vm0, $0xb8;
	[tilespmem:$0xC080] =	vst v63  }
0x4f: {  	_ = 	snop  }
0x50: {  	[tilespmem:s24], [sflag:$0x1] =	stream.indirect_vreg.gather [hbm4b:s5+s2], $0x80, v3, vm0, $0xb8;
	[tilespmem:$0xC080] =	vst v63  }
0x51: {  	v3 =	vld [tilespmem:$0x30];
	_ =	sdelay $0x4  }
0x52: {  	v63 =	vshrl.u32 v3, $0x3  }
0x53: {  	v4 =	vmul.u32 $0x30, v63  }
0x54: {  	v3 =	vand.u32 $0x7, v3  }
0x55: {  	v3 =	vor.u32 v3, v4  }
0x56: {  	v4 =	vperm.xlane v3, v0;
	_ =	sdelay $0x1  }
0x57: {  	v4 =	vadd.s32 v1, v4;
	_ =	sdelay $0x3  }
0x58: {  	v3 =	vperm.xlane v3, v2  }
0x59: {  	[tilespmem:s25], [sflag:$0x1] =	stream.indirect_vreg.gather [hbm4b:s3+s2], $0x80, v4, vm0, $0xb8;
	[tilespmem:$0xC080] =	vst v63  }
0x5a: {  	v3 =	vadd.s32 v1, v3  }
0x5b: {  	[tilespmem:s26], [sflag:$0x1] =	stream.indirect_vreg.gather [hbm4b:s4+s2], $0x80, v4, vm0, $0xb8;
	[tilespmem:$0xC080] =	vst v63  }
0x5c: {  	_ = 	snop  }
0x5d: {  	[tilespmem:s28], [sflag:$0x1] =	stream.indirect_vreg.gather [hbm4b:s5+s2], $0x80, v4, vm0, $0xb8;
	[tilespmem:$0xC080] =	vst v63  }
0x5e: {  	_ = 	snop  }
0x5f: {  	[tilespmem:s29], [sflag:$0x1] =	stream.indirect_vreg.gather [hbm4b:s3+s2], $0x80, v3, vm0, $0xb8;
	[tilespmem:$0xC080] =	vst v63  }
0x60: {  	_ = 	snop  }
0x61: {  	[tilespmem:s30], [sflag:$0x1] =	stream.indirect_vreg.gather [hbm4b:s4+s2], $0x80, v3, vm0, $0xb8;
	[tilespmem:$0xC080] =	vst v63  }
0x62: {  	_ = 	snop  }
0x63: {  	[tilespmem:s31], [sflag:$0x1] =	stream.indirect_vreg.gather [hbm4b:s5+s2], $0x80, v3, vm0, $0xb8;
	[tilespmem:$0xC080] =	vst v63  }
0x64: {  	_ =	swait.ge [sflag:s0], $0xC000  }
0x65: {  	p0 =	sne.s32 s6, $0x1;
	[sflag:s0] =	ssyncset.done $0x0  }
.Ltmp0:
0x66: {  	s1 =	rddreg [dreg:$0x3];
	[sflag:s0] =	ssyncadd.s32 $0xFFFF4000;
	(pc) =	sbr.rel @p0 .LBB2_1-.Ltmp0, $4  }
0x67: {  	[hbm4b:s1+s2] =	stream.linear.scatter [tilespmem:s8], [sflag:$0x2], $0xC000, $0x38;
	[tilespmem:$0xC080] =	vst v63  }
0x68: {  	_ =	swait.ge [sflag:s7], $0xC000  }
0x69: {  	[sflag:s7] =	ssyncset.done $0x0  }
0x6a: {  	s6 =	sadd.s32 $0xFFFFFFFF, s6;
	[sflag:s7] =	ssyncadd.s32 $0xFFFF4000  }
0x6b: {  	_ =	sfence.sel $0x180000  }
0x6c: {  	[bflag:$0x0] =	sbarrier.arrive $0xFFFF  }
0x6d: {  	_ =	strace $0x9000004A  }
0x6e: {  	s0 =	stileid.u32;
	[bflag:$0x2] =	sbarrier.arrive $0xFFFF  }
0x6f: {  	p0 =	sne.s32 s0, $0x0;
	s0 =	rddreg [dreg:$0x1]  }
0x70: {  	s0 =	sadd.s32 @!p0 $0x100000, s0  }
0x71: {  	[sflag:s0] =	ssyncadd.tile.s32 @!p0 $0x1;
	_ =	shalt  }
.Lfunc_end2:
_tile_overlayer_lowered:
.L_overlay_start_2:
0x72: {  	(tag) =	ssettag $0x2  }
0x73: {  	s0 =	rddreg [dreg:$0x0];
	s2 =	stileid.u32  }
0x74: {  	s1 =	rddreg [dreg:$0x1];
	p0 =	sne.s32 s2, $0x0  }
0x75: {  	s3 =	rddreg [dreg:$0x2];
	[bflag:$0x3] =	sbarrier.arrive $0xFFFF;
	s2 =	simm.s32 @!p0 $0x1C02  }
0x76: {  	[timem:s3], [sflag:s2] =	dma.local @!p0 [hbm:s0], s1  }
0x77: {  	s0 =	simm.s32 @!p0 $0x2  }
0x78: {  	_ =	swait.ge @!p0 [sflag:s0], s1  }
0x79: {  	s1 =	ssub.s32 @!p0 $0x0, s1;
	[sflag:s0] =	ssyncset.done @!p0 $0x0  }
0x7a: {  	[sflag:s0] =	ssyncadd.s32 @!p0 s1  }
0x7b: {  	[bflag:$0x3] =	sbarrier.arrive $0xFFFF  }
0x7c: {  	_ =	shalt  }

// kernel: kernel.7.cloned.1.call-start
scs
__scs_entry_jumppad:
0x0: {  	(pc) =	sbr.rel $0x88, $3  }
0x1: {  	(tag) =	ssettag $0x0;
	lr =	simm.s32 $0x1  }
0x2: {  	[smem:$0x3F94] =	sst lr;
	_ =	strace $0xD0000000  }
0x3: {  	_ = 	snop  }
0x4: {  	_ = 	snop  }
0x5: {  	_ = 	snop  }
0x6: {  	_ = 	snop  }
0x7: {  	_ = 	snop  }
__scs_overlays_trampoline_lowered:
0x8: {  	[smem:$0x3FA3] =	sst s0  }
0x9: {  	[smem:$0x3FA4] =	sst s1  }
0xa: {  	[smem:$0x3FA5] =	sst s2  }
0xb: {  	[smem:$0x3FA6] =	sst s3  }
0xc: {  	[smem:$0x3FA7] =	sst s4  }
0xd: {  	[smem:$0x3FA8] =	sst s5  }
0xe: {  	[smem:$0x3FA9] =	sst s6  }
0xf: {  	[smem:$0x3FAA] =	sst s7  }
0x10: {  	[smem:$0x3FAB] =	sst s8  }
0x11: {  	[smem:$0x3FAC] =	sst s9;
	s0 =	simm.s32 @!p0 $0x0  }
0x12: {  	s1 =	sld [smem:$0x3F92];
	s0 =	simm.s32 @p0 $0x1  }
0x13: {  	[smem:$0x3FAD] =	sst s0;
	s0 =	simm.s32 @!p1 $0x0  }
0x14: {  	s2 =	sld [smem:$0x3F91];
	s0 =	simm.s32 @p1 $0x1  }
0x15: {  	[smem:$0x3FAE] =	sst s0;
	s0 =	simm.s32 @!p2 $0x0  }
0x16: {  	s3 =	sld [smem:$0x3FDB];
	s0 =	simm.s32 @p2 $0x1  }
0x17: {  	s4 =	simm.s32 $0x1BF5;
	[smem:$0x3FB0] =	sst s0  }
0x18: {  	s0 =	sld [smem:$0x3F93];
	_ =	swait.ge [sflag:s4], $0x0  }
0x19: {  	s7 =	sld [smem:$0x3F94]  }
0x1a: {  	s8 =	sadd.s32 $0xFFFFE003, lr  }
0x1b: {  	s9 =	sadd.s32 $0xFFFFFEF7, lr;
	s5 =	simm.s32 $0xFFFFFFFF;
	p2 =	slt.u32 s8, $0xFFFFF086  }
0x1c: {  	p1 =	slt.u32 s9, $0xF7A;
	s5 =	simm.s32 @!p2 $0x0  }
0x1d: {  	s5 =	simm.s32 @p1 $0x1;
	p0 =	seq.s32 s7, s2  }
0x1e: {  	s7 =	smul.u32 @!p0 $0xF7A, s2;
	p2 =	seq.s32 @!p0 s5, $0x0  }
0x1f: {  	s9 =	smul.u32 $0xF7A, s1;
	s8 =	simm.s32 @!p0 $0x1BF5;
	p2 =	por !p2, p0  }
0x20: {  	[sflag:s8] =	ssyncset.s32 @!p0 $0xFFFFF086;
	s6 =	sadd.s32 @!p0 s3, s7;
	s7 =	simm.s32 @!p0 $0x108  }
0x21: {  	s3 =	sadd.s32 s3, s9;
	s6 =	sadd.s32 @!p0 $0x88, s6;
	s7 =	simm.s32 @p2 $0x1082  }
0x22: {  	[simem:s7], [sflag:s8] =	dma.local @!p0 [hbm:s6], $0xF7A  }
0x23: {  	s9 =	sor.u32 $0xD0000000, s2;
	s6 =	simm.s32 $0x108;
	_ =	swait.ge @!p0 [sflag:s8], $0x0  }
0x24: {  	s3 =	sadd.s32 $0x88, s3;
	s6 =	simm.s32 @!p1 $0x1082;
	[sflag:s4] =	ssyncset.s32 $0xFFFFF086  }
0x25: {  	[simem:s6], [sflag:s4] =	dma.local [hbm:s3], $0xF7A  }
0x26: {  	[smem:$0x3F94] =	sst s1;
	(tag) =	ssettag s2;
	_ =	strace s9  }
0x27: {  	s1 =	sld [smem:$0x3FA4]  }
0x28: {  	s2 =	sld [smem:$0x3FA5]  }
0x29: {  	s4 =	sld [smem:$0x3FA7]  }
0x2a: {  	p0 =	seq.s32 s5, $0x0;
	s5 =	sld [smem:$0x3FA8]  }
0x2b: {  	s6 =	sld [smem:$0x3FA9]  }
0x2c: {  	s7 =	sld [smem:$0x3FAA]  }
0x2d: {  	s3 =	simm.s32 $0x108;
	s8 =	sld [smem:$0x3FAB]  }
0x2e: {  	s3 =	simm.s32 @!p0 $0x1082;
	s9 =	sld [smem:$0x3FAC]  }
0x2f: {  	lr =	sadd.s32 s0, s3;
	s0 =	sld [smem:$0x3FA3]  }
0x30: {  	s3 =	sld [smem:$0x3FA6]  }
0x31: {  	[smem:$0x3FAF] =	sst s10  }
0x32: {  	s10 =	sld [smem:$0x3FAD];
	_ =	sdelay $0x3  }
0x33: {  	p0 =	seq.s32 s10, $0x1;
	s10 =	sld [smem:$0x3FAF];
	_ =	sdelay $0x3  }
0x34: {  	[smem:$0x3FAF] =	sst s10  }
0x35: {  	s10 =	sld [smem:$0x3FAE];
	_ =	sdelay $0x3  }
0x36: {  	p1 =	seq.s32 s10, $0x1;
	s10 =	sld [smem:$0x3FAF];
	_ =	sdelay $0x3  }
0x37: {  	[smem:$0x3FAF] =	sst s10  }
0x38: {  	s10 =	sld [smem:$0x3FB0]  }
0x39: {  	_ = 	snop;
	(pc) =	sbr.ind lr, $3  }
0x3a: {  	_ = 	snop  }
0x3b: {  	_ = 	snop  }
0x3c: {  	p2 =	seq.s32 s10, $0x1;
	s10 =	sld [smem:$0x3FAF]  }
0x3d: {  	_ =	shalt  }
0x3e: {  	_ =	shalt  }
0x3f: {  	_ =	shalt  }
0x40: {  	_ =	shalt  }
0x41: {  	_ =	shalt  }
0x42: {  	_ =	shalt  }
0x43: {  	_ =	shalt  }
0x44: {  	_ =	shalt  }
0x45: {  	_ =	shalt  }
0x46: {  	_ =	shalt  }
0x47: {  	_ =	shalt  }
0x48: {  	_ =	shalt  }
0x49: {  	_ =	shalt  }
0x4a: {  	_ =	shalt  }
0x4b: {  	_ =	shalt  }
0x4c: {  	_ =	shalt  }
0x4d: {  	_ =	shalt  }
0x4e: {  	_ =	shalt  }
0x4f: {  	_ =	shalt  }
0x50: {  	_ =	shalt  }
0x51: {  	_ =	shalt  }
0x52: {  	_ =	shalt  }
0x53: {  	_ =	shalt  }
0x54: {  	_ =	shalt  }
0x55: {  	_ =	shalt  }
0x56: {  	_ =	shalt  }
0x57: {  	_ =	shalt  }
0x58: {  	_ =	shalt  }
0x59: {  	_ =	shalt  }
0x5a: {  	_ =	shalt  }
0x5b: {  	_ =	shalt  }
0x5c: {  	_ =	shalt  }
0x5d: {  	_ =	shalt  }
0x5e: {  	_ =	shalt  }
0x5f: {  	_ =	shalt  }
0x60: {  	_ =	shalt  }
0x61: {  	_ =	shalt  }
0x62: {  	_ =	shalt  }
0x63: {  	_ =	shalt  }
0x64: {  	_ =	shalt  }
0x65: {  	_ =	shalt  }
0x66: {  	_ =	shalt  }
0x67: {  	_ =	shalt  }
0x68: {  	_ =	shalt  }
0x69: {  	_ =	shalt  }
0x6a: {  	_ =	shalt  }
0x6b: {  	_ =	shalt  }
0x6c: {  	_ =	shalt  }
0x6d: {  	_ =	shalt  }
0x6e: {  	_ =	shalt  }
0x6f: {  	_ =	shalt  }
0x70: {  	_ =	shalt  }
0x71: {  	_ =	shalt  }
0x72: {  	_ =	shalt  }
0x73: {  	_ =	shalt  }
0x74: {  	_ =	shalt  }
0x75: {  	_ =	shalt  }
0x76: {  	_ =	shalt  }
0x77: {  	_ =	shalt  }
0x78: {  	_ =	shalt  }
0x79: {  	_ =	shalt  }
0x7a: {  	_ =	shalt  }
0x7b: {  	_ =	shalt  }
0x7c: {  	_ =	shalt  }
0x7d: {  	_ =	shalt  }
0x7e: {  	_ =	shalt  }
0x7f: {  	_ =	shalt  }
0x80: {  	_ =	shalt  }
0x81: {  	_ =	shalt  }
0x82: {  	_ =	shalt  }
0x83: {  	_ =	shalt  }
0x84: {  	_ =	shalt  }
0x85: {  	_ =	shalt  }
0x86: {  	_ =	shalt  }
0x87: {  	_ =	shalt  }
.Lfunc_end0:
.L_simem_size_0:
called_computation_lowered:
.L_overlay_start_0:
0x88: {  	s2 =	sld [smem:$0x3FD9]  }
0x89: {  	s3 =	sld [smem:$0x3FFE];
	_ =	sdelay $0x1  }
0x8a: {  	s1 =	srdreg.scid  }
0x8b: {  	s0 =	sand.u32 $0x1, s1  }
0x8c: {  	s17 =	sshll.u32 s0, $0xA;
	s2 =	sadd.s32 s3, s2  }
0x8d: {  	s2 =	sadd.s32 s2, s17  }
0x8e: {  	[smem:$0x3FBB] =	sst s2  }
0x8f: {  	_ = 	snop  }
0x90: {  	s2 =	sld [smem:$0x3FD0];
	(tm) =	ssettm $0x1  }
0x91: {  	s18 =	sld [smem:$0x3FFB];
	_ =	sdelay $0x3  }
0x92: {  	_ =	strace s18  }
0x93: {  	s3 =	sld [smem:$0x3FFC];
	_ =	sdelay $0x3  }
0x94: {  	_ =	strace s3  }
0x95: {  	s3 =	sld [smem:$0x3FFD];
	_ =	sdelay $0x3  }
0x96: {  	_ =	strace s3  }
0x97: {  	_ =	strace $0x8FFFFFFF  }
0x98: {  	s19 =	sld [smem:$0x3FDB];
	_ =	sdelay $0x1  }
0x99: {  	s4 =	simm.s32 $_scs_section_size  }
0x9a: {  	s5 =	simm.s32 $_size__tile_overlayer_lowered;
	s6 =	simm.s32 $_tile_overlayer_lowered  }
0x9b: {  	s22 =	simm.s32 $0x1BFF;
	s21 =	sshll.u32 s6, $0x1;
	s3 =	sadd.s32 s4, s19  }
0x9c: {  	s7 =	simm.s32 $0x0;
	s20 =	sshll.u32 s5, $0x1;
	s5 =	sadd.s32 s21, s3  }
0x9d: {  	[timem:s7], [sflag:s22] =	dma.local [hbm:s5], s20  }
0x9e: {  	_ =	swait.ge [sflag:s22], s20  }
0x9f: {  	s4 =	ssub.s32 $0x0, s20;
	[sflag:s22] =	ssyncset.done $0x0  }
0xa0: {  	[sflag:s22] =	ssyncadd.s32 s4;
	_ =	sdelay $0x1  }
0xa1: {  	s23 =	simm.s32 $0x1B8B  }
0xa2: {  	_ =	swait.ge [sflag:s23], $0x1  }
0xa3: {  	[sflag:s23] =	ssyncset.done $0x0  }
0xa4: {  	s25 =	simm.s32 $0x1B8E;
	s24 =	sld [smem:$0x3FFE];
	[sflag:s23] =	ssyncadd.s32 $0xFFFFFFFF  }
0xa5: {  	s26 =	simm.s32 $execute0_lowered;
	[smem:$0x3FD2] =	sst s25  }
0xa6: {  	s5 =	sshll.u32 s26, $0x1;
	_ =	strace $0x80000046;
	[dreg:$0x1] =	wrdreg $0xFFFFFFFF  }
0xa7: {  	s28 =	simm.s32 $_size_execute0_lowered;
	s3 =	sadd.s32 s3, s5;
	[dreg:$0x0] =	wrdreg $0x0  }
0xa8: {  	s5 =	sshll.u32 s28, $0x1;
	[dreg:$0x2] =	wrdreg s3  }
0xa9: {  	[dreg:$0x3] =	wrdreg s5  }
0xaa: {  	[dreg:$0x4] =	wrdreg $0xC0  }
0xab: {  	_ =	task [dreg:s7], $0x5FFFF  }
0xac: {  	[dreg:$0x1] =	wrdreg $0xFFFFFFFF  }
0xad: {  	[dreg:$0x0] =	wrdreg $0x60  }
0xae: {  	[dreg:$0x2] =	wrdreg s2  }
0xaf: {  	[dreg:$0x3] =	wrdreg s24  }
0xb0: {  	[dreg:$0x4] =	wrdreg $0x9  }
0xb1: {  	_ =	task.clear_ibuf [dreg:s7], $0x5FFFF;
	_ =	strace $0x90000046  }
0xb2: {  	s29 =	simm.s32 $0x9;
	_ =	strace $0x80000048  }
0xb3: {  	_ =	swait.ge [sflag:s29], $0x1  }
0xb4: {  	[sflag:s29] =	ssyncadd.s32 $0xFFFFFFFF  }
0xb5: {  	_ =	strace $0x90000048  }
0xb6: {  	_ =	sfence  }
0xb7: {  	s30 =	sld [smem:$0x0];
	_ =	sdelay $0x2  }
0xb8: {  	s31 =	sshll.u32 s1, $0xD;
	s1 =	sshrl.u32 s1, $0x2  }
0xb9: {  	s3 =	sand.u32 $0x4000, s31;
	s1 =	sadd.s32 s1, s30  }
0xba: {  	s0 =	sor.u32 s3, s0;
	s1 =	sshll.u32 s1, $0x11  }
0xbb: {  	s0 =	sor.u32 s1, s0  }
0xbc: {  	s0 =	sadd.s32 $0x8F2B, s0  }
0xbd: {  	[sflag:s0] =	ssyncadd.remote.s32 $0x1  }
0xbe: {  	_ =	sfence.sel $0xFFFF  }
0xbf: {  	[dreg:$0x0] =	wrdreg $0xFFFFFFFF;
	(pc) =	sbr.abs _section_cstart, $3  }
0xc0: {  	[dreg:$0x1] =	wrdreg $0xFFFFFFFF  }
0xc1: {  	_ =	task.clear_ibuf [dreg:s7], $0x2FFFF;
	_ =	strace $0x9FFFFFFF  }
0xc2: {  	(tm) =	ssettm $0x7FFFFFFF  }
0xc3: {  	_ =	shalt  }
tec
execute0_lowered:
.L_overlay_start_1:
0x0: {  	(tag) =	ssettag $0x1  }
0x1: {  	s1 =	srdreg.scid  }
0x2: {  	s3 =	rddreg [dreg:$0x0];
	s0 =	stileid.u32  }
0x3: {  	s5 =	rddreg [dreg:$0x1];
	s2 =	simm.s32 $0x0;
	s8 =	simm.s32 $0x80  }
0x4: {  	s26 =	simm.s32 $0x880;
	s9 =	simm.s32 $0x1080;
	s10 =	simm.s32 $0x1880  }
0x5: {  	s11 =	simm.s32 $0x2080;
	s12 =	simm.s32 $0x2880;
	s13 =	simm.s32 $0x3080  }
0x6: {  	s14 =	simm.s32 $0x3880;
	s15 =	simm.s32 $0x4080;
	s16 =	simm.s32 $0x4880  }
0x7: {  	s17 =	simm.s32 $0x5080;
	s18 =	simm.s32 $0x5880;
	s19 =	simm.s32 $0x6080  }
0x8: {  	s20 =	simm.s32 $0x6880;
	s21 =	simm.s32 $0x7080;
	s22 =	simm.s32 $0x7880  }
0x9: {  	s23 =	simm.s32 $0x8080;
	s24 =	simm.s32 $0x8880;
	s25 =	simm.s32 $0x9080  }
0xa: {  	s28 =	simm.s32 $0xA080;
	s29 =	simm.s32 $0xA880;
	s30 =	simm.s32 $0xB080  }
0xb: {  	s31 =	simm.s32 $0xB880;
	s1 =	sand.u32 $0x1, s1;
	[smem:$0x7FF] =	sst s2  }
0xc: {  	s4 =	sshll.u32 s0, $0x4;
	s6 =	sshll.u32 s1, $0x3;
	_ =	strace $0x80000047  }
0xd: {  	s1 =	ssub.s32 $0x2, s1;
	[dreg:$0x5] =	wrdreg s26;
	s4 =	sor.u32 s6, s4  }
0xe: {  	s7 =	sshrl.u32 s1, $0x1;
	s6 =	sadd.s32 s4, s5;
	s4 =	smul.u32 $0x300, s4  }
0xf: {  	s26 =	simm.s32 $0x9880;
	s1 =	ssub.s32 s1, s7;
	s6 =	sadd.s32 $0x2600, s6  }
0x10: {  	v2 =	vlaneseq.u32;
	s7 =	simm.s32 $0x2;
	[dreg:$0x3] =	wrdreg s6;
	s4 =	sadd.s32 s3, s4  }
0x11: {  	vm0 =	vmmov $0xffff;
	v1 =	vshrl.u32 v2, $0x3;
	s3 =	sadd.s32 $0x2800, s5;
	s6 =	smax.u32 s1, $0x1;
	s1 =	simm.s32 $0x1  }
0x12: {  	v0 =	vand.u32 $0x7, v2;
	v2 =	vor.u32 $0x8, v2;
	v1 =	vmul.u32 $0x8, v1;
	[dreg:$0x4] =	wrdreg s4;
	s4 =	sadd.s32 $0x2900, s5;
	s5 =	sadd.s32 $0x2A00, s5  }
.LBB2_1:
0x13: {  	s0 =	rddreg [dreg:$0x3]  }
0x14: {  	[tilespmem:s2], [sflag:$0x2] =	stream.linear.gather [hbm4b:s0+s2], $0x40, $0x38;
	[tilespmem:$0xC080] =	vst v63  }
0x15: {  	_ =	swait.ge [sflag:s7], $0x40  }
0x16: {  	[sflag:s7] =	ssyncset.done $0x0  }
0x17: {  	s0 =	rddreg [dreg:$0x4];
	[sflag:s7] =	ssyncadd.s32 $0xFFFFFFC0  }
0x18: {  	[tilespmem:s8], [sflag:$0x2] =	stream.linear.gather [hbm4b:s0+s2], $0xC000, $0x38;
	[tilespmem:$0xC080] =	vst v63  }
0x19: {  	_ =	swait.ge [sflag:s7], $0xC000  }
0x1a: {  	[sflag:s7] =	ssyncset.done $0x0  }
0x1b: {  	[sflag:s7] =	ssyncadd.s32 $0xFFFF4000  }
0x1c: {  	v3 =	vld [tilespmem:$0x0];
	_ =	sdelay $0x4  }
0x1d: {  	v4 =	vshrl.u32 v3, $0x3  }
0x1e: {  	v4 =	vmul.u32 $0x30, v4  }
0x1f: {  	v3 =	vand.u32 $0x7, v3  }
0x20: {  	v3 =	vor.u32 v3, v4  }
0x21: {  	v4 =	vperm.xlane v3, v0;
	_ =	sdelay $0x1  }
0x22: {  	v4 =	vadd.s32 v1, v4;
	_ =	sdelay $0x3  }
0x23: {  	v3 =	vperm.xlane v3, v2  }
0x24: {  	[hbm4b:s3+s2] =	stream.indirect_vreg.scatter [tilespmem:s8], [sflag:$0x1], $0x80, v4, vm0, $0xb8;
	[tilespmem:$0xC080] =	vst v63  }
0x25: {  	s0 =	rddreg [dreg:$0x5];
	v3 =	vadd.s32 v1, v3  }
0x26: {  	[hbm4b:s4+s2] =	stream.indirect_vreg.scatter [tilespmem:s0], [sflag:$0x1], $0x80, v4, vm0, $0xb8;
	[tilespmem:$0xC080] =	vst v63  }
0x27: {  	_ = 	snop  }
0x28: {  	[hbm4b:s5+s2] =	stream.indirect_vreg.scatter [tilespmem:s9], [sflag:$0x1], $0x80, v4, vm0, $0xb8;
	[tilespmem:$0xC080] =	vst v63  }
0x29: {  	_ = 	snop  }
0x2a: {  	[hbm4b:s3+s2] =	stream.indirect_vreg.scatter [tilespmem:s10], [sflag:$0x1], $0x80, v3, vm0, $0xb8;
	[tilespmem:$0xC080] =	vst v63  }
0x2b: {  	_ = 	snop  }
0x2c: {  	[hbm4b:s4+s2] =	stream.indirect_vreg.scatter [tilespmem:s11], [sflag:$0x1], $0x80, v3, vm0, $0xb8;
	[tilespmem:$0xC080] =	vst v63  }
0x2d: {  	_ = 	snop  }
0x2e: {  	[hbm4b:s5+s2] =	stream.indirect_vreg.scatter [tilespmem:s12], [sflag:$0x1], $0x80, v3, vm0, $0xb8;
	[tilespmem:$0xC080] =	vst v63  }
0x2f: {  	v3 =	vld [tilespmem:$0x10];
	_ =	sdelay $0x4  }
0x30: {  	v61 =	vshrl.u32 v3, $0x3  }
0x31: {  	v4 =	vmul.u32 $0x30, v61  }
0x32: {  	v3 =	vand.u32 $0x7, v3  }
0x33: {  	v3 =	vor.u32 v3, v4  }
0x34: {  	v4 =	vperm.xlane v3, v0;
	_ =	sdelay $0x1  }
0x35: {  	v4 =	vadd.s32 v1, v4;
	_ =	sdelay $0x3  }
0x36: {  	v3 =	vperm.xlane v3, v2  }
0x37: {  	[hbm4b:s3+s2] =	stream.indirect_vreg.scatter [tilespmem:s13], [sflag:$0x1], $0x80, v4, vm0, $0xb8;
	[tilespmem:$0xC080] =	vst v63  }
0x38: {  	v3 =	vadd.s32 v1, v3  }
0x39: {  	[hbm4b:s4+s2] =	stream.indirect_vreg.scatter [tilespmem:s14], [sflag:$0x1], $0x80, v4, vm0, $0xb8;
	[tilespmem:$0xC080] =	vst v63  }
0x3a: {  	_ = 	snop  }
0x3b: {  	[hbm4b:s5+s2] =	stream.indirect_vreg.scatter [tilespmem:s15], [sflag:$0x1], $0x80, v4, vm0, $0xb8;
	[tilespmem:$0xC080] =	vst v63  }
0x3c: {  	_ = 	snop  }
0x3d: {  	[hbm4b:s3+s2] =	stream.indirect_vreg.scatter [tilespmem:s16], [sflag:$0x1], $0x80, v3, vm0, $0xb8;
	[tilespmem:$0xC080] =	vst v63  }
0x3e: {  	_ = 	snop  }
0x3f: {  	[hbm4b:s4+s2] =	stream.indirect_vreg.scatter [tilespmem:s17], [sflag:$0x1], $0x80, v3, vm0, $0xb8;
	[tilespmem:$0xC080] =	vst v63  }
0x40: {  	_ = 	snop  }
0x41: {  	[hbm4b:s5+s2] =	stream.indirect_vreg.scatter [tilespmem:s18], [sflag:$0x1], $0x80, v3, vm0, $0xb8;
	[tilespmem:$0xC080] =	vst v63  }
0x42: {  	v3 =	vld [tilespmem:$0x20];
	_ =	sdelay $0x4  }
0x43: {  	v62 =	vshrl.u32 v3, $0x3  }
0x44: {  	v4 =	vmul.u32 $0x30, v62  }
0x45: {  	v3 =	vand.u32 $0x7, v3  }
0x46: {  	v3 =	vor.u32 v3, v4  }
0x47: {  	v4 =	vperm.xlane v3, v0;
	_ =	sdelay $0x1  }
0x48: {  	v4 =	vadd.s32 v1, v4;
	_ =	sdelay $0x3  }
0x49: {  	v3 =	vperm.xlane v3, v2  }
0x4a: {  	[hbm4b:s3+s2] =	stream.indirect_vreg.scatter [tilespmem:s19], [sflag:$0x1], $0x80, v4, vm0, $0xb8;
	[tilespmem:$0xC080] =	vst v63  }
0x4b: {  	v3 =	vadd.s32 v1, v3  }
0x4c: {  	[hbm4b:s4+s2] =	stream.indirect_vreg.scatter [tilespmem:s20], [sflag:$0x1], $0x80, v4, vm0, $0xb8;
	[tilespmem:$0xC080] =	vst v63  }
0x4d: {  	_ = 	snop  }
0x4e: {  	[hbm4b:s5+s2] =	stream.indirect_vreg.scatter [tilespmem:s21], [sflag:$0x1], $0x80, v4, vm0, $0xb8;
	[tilespmem:$0xC080] =	vst v63  }
0x4f: {  	_ = 	snop  }
0x50: {  	[hbm4b:s3+s2] =	stream.indirect_vreg.scatter [tilespmem:s22], [sflag:$0x1], $0x80, v3, vm0, $0xb8;
	[tilespmem:$0xC080] =	vst v63  }
0x51: {  	_ = 	snop  }
0x52: {  	[hbm4b:s4+s2] =	stream.indirect_vreg.scatter [tilespmem:s23], [sflag:$0x1], $0x80, v3, vm0, $0xb8;
	[tilespmem:$0xC080] =	vst v63  }
0x53: {  	_ = 	snop  }
0x54: {  	[hbm4b:s5+s2] =	stream.indirect_vreg.scatter [tilespmem:s24], [sflag:$0x1], $0x80, v3, vm0, $0xb8;
	[tilespmem:$0xC080] =	vst v63  }
0x55: {  	v3 =	vld [tilespmem:$0x30];
	_ =	sdelay $0x4  }
0x56: {  	v63 =	vshrl.u32 v3, $0x3  }
0x57: {  	v4 =	vmul.u32 $0x30, v63  }
0x58: {  	v3 =	vand.u32 $0x7, v3  }
0x59: {  	v3 =	vor.u32 v3, v4  }
0x5a: {  	v4 =	vperm.xlane v3, v0;
	_ =	sdelay $0x1  }
0x5b: {  	v4 =	vadd.s32 v1, v4;
	_ =	sdelay $0x3  }
0x5c: {  	v3 =	vperm.xlane v3, v2  }
0x5d: {  	[hbm4b:s3+s2] =	stream.indirect_vreg.scatter [tilespmem:s25], [sflag:$0x1], $0x80, v4, vm0, $0xb8;
	[tilespmem:$0xC080] =	vst v63  }
0x5e: {  	v3 =	vadd.s32 v1, v3  }
0x5f: {  	[hbm4b:s4+s2] =	stream.indirect_vreg.scatter [tilespmem:s26], [sflag:$0x1], $0x80, v4, vm0, $0xb8;
	[tilespmem:$0xC080] =	vst v63  }
0x60: {  	_ = 	snop  }
0x61: {  	[hbm4b:s5+s2] =	stream.indirect_vreg.scatter [tilespmem:s28], [sflag:$0x1], $0x80, v4, vm0, $0xb8;
	[tilespmem:$0xC080] =	vst v63  }
0x62: {  	_ = 	snop  }
0x63: {  	[hbm4b:s3+s2] =	stream.indirect_vreg.scatter [tilespmem:s29], [sflag:$0x1], $0x80, v3, vm0, $0xb8;
	[tilespmem:$0xC080] =	vst v63  }
0x64: {  	p0 =	sne.s32 s6, $0x1  }
0x65: {  	[hbm4b:s4+s2] =	stream.indirect_vreg.scatter [tilespmem:s30], [sflag:$0x1], $0x80, v3, vm0, $0xb8;
	[tilespmem:$0xC080] =	vst v63  }
.Ltmp0:
0x66: {  	_ = 	snop;
	(pc) =	sbr.rel @p0 .LBB2_1-.Ltmp0, $4  }
0x67: {  	[hbm4b:s5+s2] =	stream.indirect_vreg.scatter [tilespmem:s31], [sflag:$0x1], $0x80, v3, vm0, $0xb8;
	[tilespmem:$0xC080] =	vst v63  }
0x68: {  	_ =	swait.ge [sflag:s1], $0xC000  }
0x69: {  	[sflag:s1] =	ssyncset.done $0x0  }
0x6a: {  	s6 =	sadd.s32 $0xFFFFFFFF, s6;
	[sflag:s1] =	ssyncadd.s32 $0xFFFF4000  }
0x6b: {  	_ =	sfence.sel $0x180000  }
0x6c: {  	[bflag:$0x0] =	sbarrier.arrive $0xFFFF  }
0x6d: {  	_ =	strace $0x90000047  }
0x6e: {  	s0 =	stileid.u32;
	[bflag:$0x2] =	sbarrier.arrive $0xFFFF  }
0x6f: {  	p0 =	sne.s32 s0, $0x0;
	s0 =	rddreg [dreg:$0x2]  }
0x70: {  	s0 =	sadd.s32 @!p0 $0x100000, s0  }
0x71: {  	[sflag:s0] =	ssyncadd.tile.s32 @!p0 $0x1;
	_ =	shalt  }
.Lfunc_end2:
_tile_overlayer_lowered:
.L_overlay_start_2:
0x72: {  	(tag) =	ssettag $0x2  }
0x73: {  	s0 =	rddreg [dreg:$0x0];
	s2 =	stileid.u32  }
0x74: {  	s1 =	rddreg [dreg:$0x1];
	p0 =	sne.s32 s2, $0x0  }
0x75: {  	s3 =	rddreg [dreg:$0x2];
	[bflag:$0x3] =	sbarrier.arrive $0xFFFF;
	s2 =	simm.s32 @!p0 $0x1C02  }
0x76: {  	[timem:s3], [sflag:s2] =	dma.local @!p0 [hbm:s0], s1  }
0x77: {  	s0 =	simm.s32 @!p0 $0x2  }
0x78: {  	_ =	swait.ge @!p0 [sflag:s0], s1  }
0x79: {  	s1 =	ssub.s32 @!p0 $0x0, s1;
	[sflag:s0] =	ssyncset.done @!p0 $0x0  }
0x7a: {  	[sflag:s0] =	ssyncadd.s32 @!p0 s1  }
0x7b: {  	[bflag:$0x3] =	sbarrier.arrive $0xFFFF  }
0x7c: {  	_ =	shalt  }

</sc_bundles>
